<compile_context>
chip_gen: v7x
topology: tpu7x:2x2x1
jax: 0.10.2.dev20260603
libtpu: 0.0.44.dev20260713+nightly
codegen_flags: <defaults>
</compile_context>

<pallas_src>
import jax
import jax.numpy as jnp
from jax.experimental import pallas as pl
from jax.experimental.pallas import tpu as pltpu

B = 256
T = 64
D = 512
E = 4
BN = [32, 64, 128, 256]
GB = 32


def _gate_kernel(x_ref, wg_ref, eg_ref, loss_ref, imp_ref, load_ref):
    i = pl.program_id(0)
    nb = pl.num_programs(0)

    @pl.when(i == 0)
    def _():
        for e in range(E):
            imp_ref[e] = 0.0
            load_ref[e] = 0.0

    logits = jnp.dot(x_ref[...], wg_ref[...], preferred_element_type=jnp.float32)
    iota = jax.lax.broadcasted_iota(jnp.int32, (GB, E), 1)
    m1 = jnp.max(logits, axis=1, keepdims=True)
    e0 = jnp.min(jnp.where(logits == m1, iota, E), axis=1, keepdims=True)
    lm = jnp.where(iota == e0, -jnp.inf, logits)
    m2 = jnp.max(lm, axis=1, keepdims=True)
    e1 = jnp.min(jnp.where(lm == m2, iota, E), axis=1, keepdims=True)
    ed = jnp.exp(m2 - m1)
    g0 = 1.0 / (1.0 + ed)
    g1 = ed / (1.0 + ed)
    gates = jnp.where(iota == e0, g0, 0.0) + jnp.where(iota == e1, g1, 0.0)

    for e in range(E):
        imp_ref[e] += jnp.sum(gates[:, e])
        load_ref[e] += jnp.sum((gates[:, e] > 0.0).astype(jnp.float32))

    c8 = jax.lax.broadcasted_iota(jnp.int32, (GB, 8), 1)
    e0f = e0.astype(jnp.float32)
    e1f = e1.astype(jnp.float32)
    eg = jnp.where(c8 == 0, e0f,
         jnp.where(c8 == 1, e1f,
         jnp.where(c8 == 2, g0,
         jnp.where(c8 == 3, g1, 0.0))))
    eg_ref[...] = eg

    @pl.when(i == nb - 1)
    def _():
        eps = 1e-10
        iv = [imp_ref[e] for e in range(E)]
        lv = [load_ref[e] for e in range(E)]
        im = (iv[0] + iv[1] + iv[2] + iv[3]) / 4.0
        lmn = (lv[0] + lv[1] + lv[2] + lv[3]) / 4.0
        ivar = ((iv[0] - im) ** 2 + (iv[1] - im) ** 2 + (iv[2] - im) ** 2 + (iv[3] - im) ** 2) / 3.0
        lvar = ((lv[0] - lmn) ** 2 + (lv[1] - lmn) ** 2 + (lv[2] - lmn) ** 2 + (lv[3] - lmn) ** 2) / 3.0
        lval = (ivar / (im * im + eps) + lvar / (lmn * lmn + eps)) * 1e-2
        loss_ref[...] = jnp.full((1, 1), lval, dtype=jnp.float32)


def _gelu_exact(v):
    return 0.5 * v * (1.0 + jax.lax.erf(v * 0.7071067811865476))


def _moe_kernel(e0_ref, e1_ref, g0_ref, g1_ref, x_ref, *rest):
    wrefs = rest[:-1]
    y_ref = rest[-1]
    s = pl.program_id(0)
    e0 = e0_ref[s]
    e1 = e1_ref[s]
    g0 = g0_ref[s]
    g1 = g1_ref[s]
    xb = x_ref[0]
    ws = [jnp.where(e0 == e, g0, 0.0) + jnp.where(e1 == e, g1, 0.0) for e in range(E)]
    y_ref[0] = xb * (ws[0] + ws[1] + ws[2] + ws[3])
    for e in range(E):
        W1, b1, W2, b2, W3, b3 = wrefs[6 * e:6 * e + 6]

        @pl.when(ws[e] > 0.0)
        def _(W1=W1, b1=b1, W2=W2, b2=b2, W3=W3, b3=b3, w=ws[e]):
            h = jnp.dot(xb, W1[...], preferred_element_type=jnp.float32) + b1[...]
            h = _gelu_exact(h)
            h = jnp.dot(h, W2[...], preferred_element_type=jnp.float32) + b2[...]
            h = _gelu_exact(h)
            h = jnp.dot(h, W3[...], preferred_element_type=jnp.float32) + b3[...]
            y_ref[0] += w * h


def kernel(x, w_gate, w_noise, e0_W1, e0_b1, e0_W2, e0_b2, e0_W3, e0_b3,
           e1_W1, e1_b1, e1_W2, e1_b2, e1_W3, e1_b3,
           e2_W1, e2_b1, e2_W2, e2_b2, e2_W3, e2_b3,
           e3_W1, e3_b1, e3_W2, e3_b2, e3_W3, e3_b3):
    del w_noise

    eg, loss2 = pl.pallas_call(
        _gate_kernel,
        grid=(B // GB,),
        in_specs=[
            pl.BlockSpec((GB, T * D), lambda i: (i, 0)),
            pl.BlockSpec((T * D, E), lambda i: (0, 0)),
        ],
        out_specs=[
            pl.BlockSpec((GB, 8), lambda i: (i, 0)),
            pl.BlockSpec((1, 1), lambda i: (0, 0)),
        ],
        out_shape=[
            jax.ShapeDtypeStruct((B, 8), jnp.float32),
            jax.ShapeDtypeStruct((1, 1), jnp.float32),
        ],
        scratch_shapes=[pltpu.SMEM((E,), jnp.float32), pltpu.SMEM((E,), jnp.float32)],
        compiler_params=pltpu.CompilerParams(dimension_semantics=("arbitrary",)),
    )(x, w_gate)

    e0i = eg[:, 0].astype(jnp.int32)
    e1i = eg[:, 1].astype(jnp.int32)
    g0 = eg[:, 2]
    g1 = eg[:, 3]

    x3 = x.reshape(B, T, D)
    experts = [
        (e0_W1, e0_b1.reshape(1, -1), e0_W2, e0_b2.reshape(1, -1), e0_W3, e0_b3.reshape(1, -1)),
        (e1_W1, e1_b1.reshape(1, -1), e1_W2, e1_b2.reshape(1, -1), e1_W3, e1_b3.reshape(1, -1)),
        (e2_W1, e2_b1.reshape(1, -1), e2_W2, e2_b2.reshape(1, -1), e2_W3, e2_b3.reshape(1, -1)),
        (e3_W1, e3_b1.reshape(1, -1), e3_W2, e3_b2.reshape(1, -1), e3_W3, e3_b3.reshape(1, -1)),
    ]
    wargs = [w for ex in experts for w in ex]

    const = lambda s, *_: tuple(0 for _ in range(2))
    wspecs = []
    for ex in experts:
        for w in ex:
            wspecs.append(pl.BlockSpec(w.shape, const))

    y3 = pl.pallas_call(
        _moe_kernel,
        grid_spec=pltpu.PrefetchScalarGridSpec(
            num_scalar_prefetch=4,
            grid=(B,),
            in_specs=[pl.BlockSpec((1, T, D), lambda s, *_: (s, 0, 0))] + wspecs,
            out_specs=pl.BlockSpec((1, T, D), lambda s, *_: (s, 0, 0)),
        ),
        out_shape=jax.ShapeDtypeStruct((B, T, D), jnp.float32),
        compiler_params=pltpu.CompilerParams(dimension_semantics=("arbitrary",)),
    )(e0i, e1i, g0, g1, x3, *wargs)

    return y3.reshape(B, T * D), loss2[0, 0]

# --- scband reference (transcript-rebuilt; emitter-appended) ---
"""Pipeline reference for scband-model-81870666596985 (READ-ONLY COPY).

The authoritative reference and input builder live on the scoring server;
editing this copy changes nothing except your own understanding.
"""

import jax, jax.numpy as jnp
import numpy as np

SEQ_LEN = 64
SEQ_DIM = 512
REPR_DIM = 512
BN_DIMS = [32, 64, 128, 256]
NUM_EXPERTS = 4
K = 2
BATCH = 256
LOSS_COEF = 1e-2


def _gelu(x):
    # torch nn.GELU default is the exact (erf) formulation
    return jax.nn.gelu(x, approximate=False)


def setup_inputs(seed: int = 0) -> dict:
    key = jax.random.key(seed)
    ks = jax.random.split(key, 3 + 3 * NUM_EXPERTS)
    inp = {}
    inp["x"] = jax.random.normal(ks[0], (BATCH, SEQ_LEN * SEQ_DIM), dtype=jnp.float32)
    # w_gate / w_noise are nn.Parameters (zeros in torch init; small random here so routing is nontrivial)
    inp["w_gate"] = 0.01 * jax.random.normal(ks[1], (SEQ_LEN * SEQ_DIM, NUM_EXPERTS), dtype=jnp.float32)
    inp["w_noise"] = 0.01 * jax.random.normal(ks[2], (SEQ_LEN * SEQ_DIM, NUM_EXPERTS), dtype=jnp.float32)
    for i, bn in enumerate(BN_DIMS):
        base = 3 + 3 * i
        inp["e%d_W1" % i] = jax.random.normal(ks[base + 0], (REPR_DIM, bn), dtype=jnp.float32) / np.sqrt(REPR_DIM)
        inp["e%d_b1" % i] = jnp.zeros((bn,), dtype=jnp.float32)
        inp["e%d_W2" % i] = jax.random.normal(ks[base + 1], (bn, bn), dtype=jnp.float32) / np.sqrt(bn)
        inp["e%d_b2" % i] = jnp.zeros((bn,), dtype=jnp.float32)
        inp["e%d_W3" % i] = jax.random.normal(ks[base + 2], (bn, REPR_DIM), dtype=jnp.float32) / np.sqrt(bn)
        inp["e%d_b3" % i] = jnp.zeros((REPR_DIM,), dtype=jnp.float32)
    return inp


def _bottleneck(x, W1, b1, W2, b2, W3, b3):
    # BottleNeck.forward: reshape -> Linear/GELU/Linear/GELU/(Dropout eval=id)/Linear -> reshape -> residual
    B = x.shape[0]
    h = x.reshape(B, SEQ_LEN, REPR_DIM)
    h = _gelu(h @ W1 + b1)
    h = _gelu(h @ W2 + b2)
    h = h @ W3 + b3
    return x + h.reshape(B, SEQ_LEN * REPR_DIM)


def _noisy_top_k_gating(x, w_gate):
    # eval mode: clean logits, no noise
    clean_logits = x @ w_gate
    logits = clean_logits
    top_logits, top_indices = jax.lax.top_k(logits, min(K + 1, NUM_EXPERTS))
    top_k_logits = top_logits[:, :K]
    top_k_indices = top_indices[:, :K]
    top_k_gates = jax.nn.softmax(top_k_logits, axis=1)
    rows = jnp.arange(logits.shape[0])[:, None]
    gates = jnp.zeros_like(logits).at[rows, top_k_indices].set(top_k_gates)
    load = (gates > 0).sum(0).astype(jnp.float32)  # _gates_to_load
    return gates, load


def _cv_squared(v):
    eps = 1e-10
    return jnp.var(v, ddof=1) / (jnp.mean(v) ** 2 + eps)


def reference(x, w_gate, w_noise,
              e0_W1, e0_b1, e0_W2, e0_b2, e0_W3, e0_b3,
              e1_W1, e1_b1, e1_W2, e1_b2, e1_W3, e1_b3,
              e2_W1, e2_b1, e2_W2, e2_b2, e2_W3, e2_b3,
              e3_W1, e3_b1, e3_W2, e3_b2, e3_W3, e3_b3):
    gates, load = _noisy_top_k_gating(x, w_gate)
    importance = gates.sum(0)
    loss = (_cv_squared(importance) + _cv_squared(load)) * LOSS_COEF
    params = [
        (e0_W1, e0_b1, e0_W2, e0_b2, e0_W3, e0_b3),
        (e1_W1, e1_b1, e1_W2, e1_b2, e1_W3, e1_b3),
        (e2_W1, e2_b1, e2_W2, e2_b2, e2_W3, e2_b3),
        (e3_W1, e3_b1, e3_W2, e3_b2, e3_W3, e3_b3),
    ]
    # SparseDispatcher dispatch/combine == gate-weighted sum over experts
    # (terms with gate==0 contribute exactly 0, identical math)
    y = jnp.zeros_like(x)
    for i, p in enumerate(params):
        y = y + gates[:, i:i + 1] * _bottleneck(x, *p)
    return y, loss

if __name__ == "__main__":
    import jax
    _d = setup_inputs()
    print(jax.jit(kernel)(*tuple(_d.values())))

</pallas_src>

<mosaic_0001>
module attributes {stable_mosaic.version = 14 : i64} {
  func.func @_gate_kernel(%arg0: i32, %arg1: memref<32x32768xf32, #tpu.memory_space<vmem>>, %arg2: memref<32768x4xf32, #tpu.memory_space<vmem>>, %arg3: memref<32x8xf32, #tpu.memory_space<vmem>>, %arg4: memref<1x1xf32, #tpu.memory_space<vmem>>, %arg5: memref<4xf32, #tpu.memory_space<smem>>, %arg6: memref<4xf32, #tpu.memory_space<smem>>) attributes {dimension_semantics = [#tpu.dimension_semantics<arbitrary>], iteration_bounds = array<i64: 8>, scalar_prefetch = 0 : i64, scratch_operands = 2 : i64, tpu.core_type = #tpu.core_type<tc>, window_params = [{transform_indices = @transform_0, window_bounds = array<i64: 32, 32768>}, {pipeline_mode = #tpu.pipeline_mode<synchronous>, transform_indices = @transform_1, window_bounds = array<i64: 32768, 4>}, {transform_indices = @transform_2, window_bounds = array<i64: 32, 8>}, {pipeline_mode = #tpu.pipeline_mode<synchronous>, transform_indices = @transform_3, window_bounds = array<i64: 1, 1>}]} {
    %eq3A = arith.constant 0 : i32
    %eq3A_0 = arith.cmpi eq, %arg0, %eq3A : i32
    %convert_element_type3A = arith.extui %eq3A_0 : i1 to i32
    %cond3A = arith.constant 0 : i32
    %cond3A_1 = arith.cmpi ne, %convert_element_type3A, %cond3A : i32
    scf.if %cond3A_1 {
      %swap3A_201 = arith.constant 0.000000e+00 : f32
      %swap3A_202 = arith.constant 0 : index
      %swap3A_203 = memref.load %arg5[%swap3A_202] : memref<4xf32, #tpu.memory_space<smem>>
      memref.store %swap3A_201, %arg5[%swap3A_202] : memref<4xf32, #tpu.memory_space<smem>>
      %swap3A_204 = arith.constant 0.000000e+00 : f32
      %swap3A_205 = arith.constant 0 : index
      %swap3A_206 = memref.load %arg6[%swap3A_205] : memref<4xf32, #tpu.memory_space<smem>>
      memref.store %swap3A_204, %arg6[%swap3A_205] : memref<4xf32, #tpu.memory_space<smem>>
      %swap3A_207 = arith.constant 0.000000e+00 : f32
      %swap3A_208 = arith.constant 1 : index
      %swap3A_209 = memref.load %arg5[%swap3A_208] : memref<4xf32, #tpu.memory_space<smem>>
      memref.store %swap3A_207, %arg5[%swap3A_208] : memref<4xf32, #tpu.memory_space<smem>>
      %swap3A_210 = arith.constant 0.000000e+00 : f32
      %swap3A_211 = arith.constant 1 : index
      %swap3A_212 = memref.load %arg6[%swap3A_211] : memref<4xf32, #tpu.memory_space<smem>>
      memref.store %swap3A_210, %arg6[%swap3A_211] : memref<4xf32, #tpu.memory_space<smem>>
      %swap3A_213 = arith.constant 0.000000e+00 : f32
      %swap3A_214 = arith.constant 2 : index
      %swap3A_215 = memref.load %arg5[%swap3A_214] : memref<4xf32, #tpu.memory_space<smem>>
      memref.store %swap3A_213, %arg5[%swap3A_214] : memref<4xf32, #tpu.memory_space<smem>>
      %swap3A_216 = arith.constant 0.000000e+00 : f32
      %swap3A_217 = arith.constant 2 : index
      %swap3A_218 = memref.load %arg6[%swap3A_217] : memref<4xf32, #tpu.memory_space<smem>>
      memref.store %swap3A_216, %arg6[%swap3A_217] : memref<4xf32, #tpu.memory_space<smem>>
      %swap3A_219 = arith.constant 0.000000e+00 : f32
      %swap3A_220 = arith.constant 3 : index
      %swap3A_221 = memref.load %arg5[%swap3A_220] : memref<4xf32, #tpu.memory_space<smem>>
      memref.store %swap3A_219, %arg5[%swap3A_220] : memref<4xf32, #tpu.memory_space<smem>>
      %swap3A_222 = arith.constant 0.000000e+00 : f32
      %swap3A_223 = arith.constant 3 : index
      %swap3A_224 = memref.load %arg6[%swap3A_223] : memref<4xf32, #tpu.memory_space<smem>>
      memref.store %swap3A_222, %arg6[%swap3A_223] : memref<4xf32, #tpu.memory_space<smem>>
    } else {
    }
    %get3A = arith.constant 0 : index
    %get3A_2 = arith.constant 0 : index
    %get3A_3 = vector.load %arg1[%get3A, %get3A_2] : memref<32x32768xf32, #tpu.memory_space<vmem>>, vector<32x32768xf32>
    %get3A_4 = arith.constant 0 : index
    %get3A_5 = arith.constant 0 : index
    %get3A_6 = vector.load %arg2[%get3A_4, %get3A_5] : memref<32768x4xf32, #tpu.memory_space<vmem>>, vector<32768x4xf32>
    %dot_general3A = arith.constant dense<0.000000e+00> : vector<32x4xf32>
    %dot_general3A_7 = tpu.matmul %get3A_3, %get3A_6, %dot_general3A {dimension_numbers = #tpu.dot_dimension_numbers<[1], [0], [0], [1], [0, 0, 1, 1], [], []>, transpose_lhs_hint = false} : vector<32x32768xf32>, vector<32768x4xf32>, vector<32x4xf32> -> vector<32x4xf32>
    %iota3A = tpu.iota {dimensions = array<i32: 1>} : vector<32x4xi32>
    %reduce_max3A = arith.constant dense<0xFF800000> : vector<32xf32>
    %reduce_max3A_8 = vector.multi_reduction <maximumf>, %dot_general3A_7, %reduce_max3A [1] : vector<32x4xf32> to vector<32xf32>
    %broadcast_in_dim3A = vector.shape_cast %reduce_max3A_8 : vector<32xf32> to vector<32x1xf32>
    %eq3A_9 = vector.broadcast %broadcast_in_dim3A : vector<32x1xf32> to vector<32x4xf32>
    %eq3A_10 = arith.cmpf oeq, %dot_general3A_7, %eq3A_9 : vector<32x4xf32>
    %jit3A = arith.constant 4 : i32
    %broadcast_in_dim3A_11 = vector.broadcast %jit3A : i32 to vector<32x4xi32>
    %select_n3A = arith.select %eq3A_10, %iota3A, %broadcast_in_dim3A_11 : vector<32x4xi1>, vector<32x4xi32>
    %reduce_min3A = arith.constant dense<2147483647> : vector<32xi32>
    %reduce_min3A_12 = vector.multi_reduction <minsi>, %select_n3A, %reduce_min3A [1] : vector<32x4xi32> to vector<32xi32>
    %broadcast_in_dim3A_13 = vector.shape_cast %reduce_min3A_12 : vector<32xi32> to vector<32x1xi32>
    %eq3A_14 = vector.broadcast %broadcast_in_dim3A_13 : vector<32x1xi32> to vector<32x4xi32>
    %eq3A_15 = arith.cmpi eq, %iota3A, %eq3A_14 : vector<32x4xi32>
    %jit3A_16 = arith.constant 0xFF800000 : f32
    %broadcast_in_dim3A_17 = vector.broadcast %jit3A_16 : f32 to vector<32x4xf32>
    %select_n3A_18 = arith.select %eq3A_15, %broadcast_in_dim3A_17, %dot_general3A_7 : vector<32x4xi1>, vector<32x4xf32>
    %reduce_max3A_19 = arith.constant dense<0xFF800000> : vector<32xf32>
    %reduce_max3A_20 = vector.multi_reduction <maximumf>, %select_n3A_18, %reduce_max3A_19 [1] : vector<32x4xf32> to vector<32xf32>
    %broadcast_in_dim3A_21 = vector.shape_cast %reduce_max3A_20 : vector<32xf32> to vector<32x1xf32>
    %eq3A_22 = vector.broadcast %broadcast_in_dim3A_21 : vector<32x1xf32> to vector<32x4xf32>
    %eq3A_23 = arith.cmpf oeq, %select_n3A_18, %eq3A_22 : vector<32x4xf32>
    %jit3A_24 = arith.constant 4 : i32
    %broadcast_in_dim3A_25 = vector.broadcast %jit3A_24 : i32 to vector<32x4xi32>
    %select_n3A_26 = arith.select %eq3A_23, %iota3A, %broadcast_in_dim3A_25 : vector<32x4xi1>, vector<32x4xi32>
    %reduce_min3A_27 = arith.constant dense<2147483647> : vector<32xi32>
    %reduce_min3A_28 = vector.multi_reduction <minsi>, %select_n3A_26, %reduce_min3A_27 [1] : vector<32x4xi32> to vector<32xi32>
    %broadcast_in_dim3A_29 = vector.shape_cast %reduce_min3A_28 : vector<32xi32> to vector<32x1xi32>
    %sub3A = arith.subf %broadcast_in_dim3A_21, %broadcast_in_dim3A : vector<32x1xf32>
    %exp3A = math.exp %sub3A : vector<32x1xf32>
    %add3A = arith.constant 1.000000e+00 : f32
    %add3A_30 = vector.broadcast %add3A : f32 to vector<32x1xf32>
    %add3A_31 = arith.addf %add3A_30, %exp3A : vector<32x1xf32>
    %div3A = arith.constant 1.000000e+00 : f32
    %div3A_32 = vector.broadcast %div3A : f32 to vector<32x1xf32>
    %div3A_33 = arith.divf %div3A_32, %add3A_31 : vector<32x1xf32>
    %add3A_34 = arith.constant 1.000000e+00 : f32
    %add3A_35 = vector.broadcast %add3A_34 : f32 to vector<32x1xf32>
    %add3A_36 = arith.addf %add3A_35, %exp3A : vector<32x1xf32>
    %div3A_37 = arith.divf %exp3A, %add3A_36 : vector<32x1xf32>
    %eq3A_38 = vector.broadcast %broadcast_in_dim3A_13 : vector<32x1xi32> to vector<32x4xi32>
    %eq3A_39 = arith.cmpi eq, %iota3A, %eq3A_38 : vector<32x4xi32>
    %jit3A_40 = arith.constant 0.000000e+00 : f32
    %broadcast_in_dim3A_41 = vector.shape_cast %div3A_33 : vector<32x1xf32> to vector<32x1xf32>
    %broadcast_in_dim3A_42 = vector.broadcast %broadcast_in_dim3A_41 : vector<32x1xf32> to vector<32x4xf32>
    %broadcast_in_dim3A_43 = vector.broadcast %jit3A_40 : f32 to vector<32x4xf32>
    %select_n3A_44 = arith.select %eq3A_39, %broadcast_in_dim3A_42, %broadcast_in_dim3A_43 : vector<32x4xi1>, vector<32x4xf32>
    %eq3A_45 = vector.broadcast %broadcast_in_dim3A_29 : vector<32x1xi32> to vector<32x4xi32>
    %eq3A_46 = arith.cmpi eq, %iota3A, %eq3A_45 : vector<32x4xi32>
    %jit3A_47 = arith.constant 0.000000e+00 : f32
    %broadcast_in_dim3A_48 = vector.shape_cast %div3A_37 : vector<32x1xf32> to vector<32x1xf32>
    %broadcast_in_dim3A_49 = vector.broadcast %broadcast_in_dim3A_48 : vector<32x1xf32> to vector<32x4xf32>
    %broadcast_in_dim3A_50 = vector.broadcast %jit3A_47 : f32 to vector<32x4xf32>
    %select_n3A_51 = arith.select %eq3A_46, %broadcast_in_dim3A_49, %broadcast_in_dim3A_50 : vector<32x4xi1>, vector<32x4xf32>
    %add3A_52 = arith.addf %select_n3A_44, %select_n3A_51 : vector<32x4xf32>
    %get3A_53 = arith.constant 0 : index
    %get3A_54 = memref.load %arg5[%get3A_53] : memref<4xf32, #tpu.memory_space<smem>>
    %slice3A = vector.extract_strided_slice %add3A_52 {offsets = [0, 0], sizes = [32, 1], strides = [1, 1]} : vector<32x4xf32> to vector<32x1xf32>
    %squeeze3A = vector.shape_cast %slice3A : vector<32x1xf32> to vector<32xf32>
    %reduce_sum3A = vector.shape_cast %squeeze3A : vector<32xf32> to vector<1x32xf32>
    %reduce_sum3A_55 = arith.constant dense<0.000000e+00> : vector<1xf32>
    %reduce_sum3A_56 = vector.multi_reduction <add>, %reduce_sum3A, %reduce_sum3A_55 [1] : vector<1x32xf32> to vector<1xf32>
    %reduce_sum3A_57 = vector.shape_cast %reduce_sum3A_56 : vector<1xf32> to vector<1x1xf32>
    %reduce_sum3A_58 = vector.extract %reduce_sum3A_57[0, 0] : f32 from vector<1x1xf32>
    %add3A_59 = arith.addf %get3A_54, %reduce_sum3A_58 : f32
    %swap3A = arith.constant 0 : index
    %swap3A_60 = memref.load %arg5[%swap3A] : memref<4xf32, #tpu.memory_space<smem>>
    memref.store %add3A_59, %arg5[%swap3A] : memref<4xf32, #tpu.memory_space<smem>>
    %get3A_61 = arith.constant 0 : index
    %get3A_62 = memref.load %arg6[%get3A_61] : memref<4xf32, #tpu.memory_space<smem>>
    %slice3A_63 = vector.extract_strided_slice %add3A_52 {offsets = [0, 0], sizes = [32, 1], strides = [1, 1]} : vector<32x4xf32> to vector<32x1xf32>
    %squeeze3A_64 = vector.shape_cast %slice3A_63 : vector<32x1xf32> to vector<32xf32>
    %gt3A = arith.constant 0.000000e+00 : f32
    %gt3A_65 = vector.broadcast %gt3A : f32 to vector<32xf32>
    %gt3A_66 = arith.cmpf ogt, %squeeze3A_64, %gt3A_65 : vector<32xf32>
    %convert_element_type3A_67 = arith.extui %gt3A_66 : vector<32xi1> to vector<32xi32>
    %convert_element_type3A_68 = arith.sitofp %convert_element_type3A_67 : vector<32xi32> to vector<32xf32>
    %reduce_sum3A_69 = vector.shape_cast %convert_element_type3A_68 : vector<32xf32> to vector<1x32xf32>
    %reduce_sum3A_70 = arith.constant dense<0.000000e+00> : vector<1xf32>
    %reduce_sum3A_71 = vector.multi_reduction <add>, %reduce_sum3A_69, %reduce_sum3A_70 [1] : vector<1x32xf32> to vector<1xf32>
    %reduce_sum3A_72 = vector.shape_cast %reduce_sum3A_71 : vector<1xf32> to vector<1x1xf32>
    %reduce_sum3A_73 = vector.extract %reduce_sum3A_72[0, 0] : f32 from vector<1x1xf32>
    %add3A_74 = arith.addf %get3A_62, %reduce_sum3A_73 : f32
    %swap3A_75 = arith.constant 0 : index
    %swap3A_76 = memref.load %arg6[%swap3A_75] : memref<4xf32, #tpu.memory_space<smem>>
    memref.store %add3A_74, %arg6[%swap3A_75] : memref<4xf32, #tpu.memory_space<smem>>
    %get3A_77 = arith.constant 1 : index
    %get3A_78 = memref.load %arg5[%get3A_77] : memref<4xf32, #tpu.memory_space<smem>>
    %slice3A_79 = vector.extract_strided_slice %add3A_52 {offsets = [0, 1], sizes = [32, 1], strides = [1, 1]} : vector<32x4xf32> to vector<32x1xf32>
    %squeeze3A_80 = vector.shape_cast %slice3A_79 : vector<32x1xf32> to vector<32xf32>
    %reduce_sum3A_81 = vector.shape_cast %squeeze3A_80 : vector<32xf32> to vector<1x32xf32>
    %reduce_sum3A_82 = arith.constant dense<0.000000e+00> : vector<1xf32>
    %reduce_sum3A_83 = vector.multi_reduction <add>, %reduce_sum3A_81, %reduce_sum3A_82 [1] : vector<1x32xf32> to vector<1xf32>
    %reduce_sum3A_84 = vector.shape_cast %reduce_sum3A_83 : vector<1xf32> to vector<1x1xf32>
    %reduce_sum3A_85 = vector.extract %reduce_sum3A_84[0, 0] : f32 from vector<1x1xf32>
    %add3A_86 = arith.addf %get3A_78, %reduce_sum3A_85 : f32
    %swap3A_87 = arith.constant 1 : index
    %swap3A_88 = memref.load %arg5[%swap3A_87] : memref<4xf32, #tpu.memory_space<smem>>
    memref.store %add3A_86, %arg5[%swap3A_87] : memref<4xf32, #tpu.memory_space<smem>>
    %get3A_89 = arith.constant 1 : index
    %get3A_90 = memref.load %arg6[%get3A_89] : memref<4xf32, #tpu.memory_space<smem>>
    %slice3A_91 = vector.extract_strided_slice %add3A_52 {offsets = [0, 1], sizes = [32, 1], strides = [1, 1]} : vector<32x4xf32> to vector<32x1xf32>
    %squeeze3A_92 = vector.shape_cast %slice3A_91 : vector<32x1xf32> to vector<32xf32>
    %gt3A_93 = arith.constant 0.000000e+00 : f32
    %gt3A_94 = vector.broadcast %gt3A_93 : f32 to vector<32xf32>
    %gt3A_95 = arith.cmpf ogt, %squeeze3A_92, %gt3A_94 : vector<32xf32>
    %convert_element_type3A_96 = arith.extui %gt3A_95 : vector<32xi1> to vector<32xi32>
    %convert_element_type3A_97 = arith.sitofp %convert_element_type3A_96 : vector<32xi32> to vector<32xf32>
    %reduce_sum3A_98 = vector.shape_cast %convert_element_type3A_97 : vector<32xf32> to vector<1x32xf32>
    %reduce_sum3A_99 = arith.constant dense<0.000000e+00> : vector<1xf32>
    %reduce_sum3A_100 = vector.multi_reduction <add>, %reduce_sum3A_98, %reduce_sum3A_99 [1] : vector<1x32xf32> to vector<1xf32>
    %reduce_sum3A_101 = vector.shape_cast %reduce_sum3A_100 : vector<1xf32> to vector<1x1xf32>
    %reduce_sum3A_102 = vector.extract %reduce_sum3A_101[0, 0] : f32 from vector<1x1xf32>
    %add3A_103 = arith.addf %get3A_90, %reduce_sum3A_102 : f32
    %swap3A_104 = arith.constant 1 : index
    %swap3A_105 = memref.load %arg6[%swap3A_104] : memref<4xf32, #tpu.memory_space<smem>>
    memref.store %add3A_103, %arg6[%swap3A_104] : memref<4xf32, #tpu.memory_space<smem>>
    %get3A_106 = arith.constant 2 : index
    %get3A_107 = memref.load %arg5[%get3A_106] : memref<4xf32, #tpu.memory_space<smem>>
    %slice3A_108 = vector.extract_strided_slice %add3A_52 {offsets = [0, 2], sizes = [32, 1], strides = [1, 1]} : vector<32x4xf32> to vector<32x1xf32>
    %squeeze3A_109 = vector.shape_cast %slice3A_108 : vector<32x1xf32> to vector<32xf32>
    %reduce_sum3A_110 = vector.shape_cast %squeeze3A_109 : vector<32xf32> to vector<1x32xf32>
    %reduce_sum3A_111 = arith.constant dense<0.000000e+00> : vector<1xf32>
    %reduce_sum3A_112 = vector.multi_reduction <add>, %reduce_sum3A_110, %reduce_sum3A_111 [1] : vector<1x32xf32> to vector<1xf32>
    %reduce_sum3A_113 = vector.shape_cast %reduce_sum3A_112 : vector<1xf32> to vector<1x1xf32>
    %reduce_sum3A_114 = vector.extract %reduce_sum3A_113[0, 0] : f32 from vector<1x1xf32>
    %add3A_115 = arith.addf %get3A_107, %reduce_sum3A_114 : f32
    %swap3A_116 = arith.constant 2 : index
    %swap3A_117 = memref.load %arg5[%swap3A_116] : memref<4xf32, #tpu.memory_space<smem>>
    memref.store %add3A_115, %arg5[%swap3A_116] : memref<4xf32, #tpu.memory_space<smem>>
    %get3A_118 = arith.constant 2 : index
    %get3A_119 = memref.load %arg6[%get3A_118] : memref<4xf32, #tpu.memory_space<smem>>
    %slice3A_120 = vector.extract_strided_slice %add3A_52 {offsets = [0, 2], sizes = [32, 1], strides = [1, 1]} : vector<32x4xf32> to vector<32x1xf32>
    %squeeze3A_121 = vector.shape_cast %slice3A_120 : vector<32x1xf32> to vector<32xf32>
    %gt3A_122 = arith.constant 0.000000e+00 : f32
    %gt3A_123 = vector.broadcast %gt3A_122 : f32 to vector<32xf32>
    %gt3A_124 = arith.cmpf ogt, %squeeze3A_121, %gt3A_123 : vector<32xf32>
    %convert_element_type3A_125 = arith.extui %gt3A_124 : vector<32xi1> to vector<32xi32>
    %convert_element_type3A_126 = arith.sitofp %convert_element_type3A_125 : vector<32xi32> to vector<32xf32>
    %reduce_sum3A_127 = vector.shape_cast %convert_element_type3A_126 : vector<32xf32> to vector<1x32xf32>
    %reduce_sum3A_128 = arith.constant dense<0.000000e+00> : vector<1xf32>
    %reduce_sum3A_129 = vector.multi_reduction <add>, %reduce_sum3A_127, %reduce_sum3A_128 [1] : vector<1x32xf32> to vector<1xf32>
    %reduce_sum3A_130 = vector.shape_cast %reduce_sum3A_129 : vector<1xf32> to vector<1x1xf32>
    %reduce_sum3A_131 = vector.extract %reduce_sum3A_130[0, 0] : f32 from vector<1x1xf32>
    %add3A_132 = arith.addf %get3A_119, %reduce_sum3A_131 : f32
    %swap3A_133 = arith.constant 2 : index
    %swap3A_134 = memref.load %arg6[%swap3A_133] : memref<4xf32, #tpu.memory_space<smem>>
    memref.store %add3A_132, %arg6[%swap3A_133] : memref<4xf32, #tpu.memory_space<smem>>
    %get3A_135 = arith.constant 3 : index
    %get3A_136 = memref.load %arg5[%get3A_135] : memref<4xf32, #tpu.memory_space<smem>>
    %slice3A_137 = vector.extract_strided_slice %add3A_52 {offsets = [0, 3], sizes = [32, 1], strides = [1, 1]} : vector<32x4xf32> to vector<32x1xf32>
    %squeeze3A_138 = vector.shape_cast %slice3A_137 : vector<32x1xf32> to vector<32xf32>
    %reduce_sum3A_139 = vector.shape_cast %squeeze3A_138 : vector<32xf32> to vector<1x32xf32>
    %reduce_sum3A_140 = arith.constant dense<0.000000e+00> : vector<1xf32>
    %reduce_sum3A_141 = vector.multi_reduction <add>, %reduce_sum3A_139, %reduce_sum3A_140 [1] : vector<1x32xf32> to vector<1xf32>
    %reduce_sum3A_142 = vector.shape_cast %reduce_sum3A_141 : vector<1xf32> to vector<1x1xf32>
    %reduce_sum3A_143 = vector.extract %reduce_sum3A_142[0, 0] : f32 from vector<1x1xf32>
    %add3A_144 = arith.addf %get3A_136, %reduce_sum3A_143 : f32
    %swap3A_145 = arith.constant 3 : index
    %swap3A_146 = memref.load %arg5[%swap3A_145] : memref<4xf32, #tpu.memory_space<smem>>
    memref.store %add3A_144, %arg5[%swap3A_145] : memref<4xf32, #tpu.memory_space<smem>>
    %get3A_147 = arith.constant 3 : index
    %get3A_148 = memref.load %arg6[%get3A_147] : memref<4xf32, #tpu.memory_space<smem>>
    %slice3A_149 = vector.extract_strided_slice %add3A_52 {offsets = [0, 3], sizes = [32, 1], strides = [1, 1]} : vector<32x4xf32> to vector<32x1xf32>
    %squeeze3A_150 = vector.shape_cast %slice3A_149 : vector<32x1xf32> to vector<32xf32>
    %gt3A_151 = arith.constant 0.000000e+00 : f32
    %gt3A_152 = vector.broadcast %gt3A_151 : f32 to vector<32xf32>
    %gt3A_153 = arith.cmpf ogt, %squeeze3A_150, %gt3A_152 : vector<32xf32>
    %convert_element_type3A_154 = arith.extui %gt3A_153 : vector<32xi1> to vector<32xi32>
    %convert_element_type3A_155 = arith.sitofp %convert_element_type3A_154 : vector<32xi32> to vector<32xf32>
    %reduce_sum3A_156 = vector.shape_cast %convert_element_type3A_155 : vector<32xf32> to vector<1x32xf32>
    %reduce_sum3A_157 = arith.constant dense<0.000000e+00> : vector<1xf32>
    %reduce_sum3A_158 = vector.multi_reduction <add>, %reduce_sum3A_156, %reduce_sum3A_157 [1] : vector<1x32xf32> to vector<1xf32>
    %reduce_sum3A_159 = vector.shape_cast %reduce_sum3A_158 : vector<1xf32> to vector<1x1xf32>
    %reduce_sum3A_160 = vector.extract %reduce_sum3A_159[0, 0] : f32 from vector<1x1xf32>
    %add3A_161 = arith.addf %get3A_148, %reduce_sum3A_160 : f32
    %swap3A_162 = arith.constant 3 : index
    %swap3A_163 = memref.load %arg6[%swap3A_162] : memref<4xf32, #tpu.memory_space<smem>>
    memref.store %add3A_161, %arg6[%swap3A_162] : memref<4xf32, #tpu.memory_space<smem>>
    %iota3A_164 = tpu.iota {dimensions = array<i32: 1>} : vector<32x8xi32>
    %convert_element_type3A_165 = arith.sitofp %broadcast_in_dim3A_13 : vector<32x1xi32> to vector<32x1xf32>
    %convert_element_type3A_166 = arith.sitofp %broadcast_in_dim3A_29 : vector<32x1xi32> to vector<32x1xf32>
    %eq3A_167 = arith.constant 0 : i32
    %eq3A_168 = vector.broadcast %eq3A_167 : i32 to vector<32x8xi32>
    %eq3A_169 = arith.cmpi eq, %iota3A_164, %eq3A_168 : vector<32x8xi32>
    %eq3A_170 = arith.constant 1 : i32
    %eq3A_171 = vector.broadcast %eq3A_170 : i32 to vector<32x8xi32>
    %eq3A_172 = arith.cmpi eq, %iota3A_164, %eq3A_171 : vector<32x8xi32>
    %eq3A_173 = arith.constant 2 : i32
    %eq3A_174 = vector.broadcast %eq3A_173 : i32 to vector<32x8xi32>
    %eq3A_175 = arith.cmpi eq, %iota3A_164, %eq3A_174 : vector<32x8xi32>
    %eq3A_176 = arith.constant 3 : i32
    %eq3A_177 = vector.broadcast %eq3A_176 : i32 to vector<32x8xi32>
    %eq3A_178 = arith.cmpi eq, %iota3A_164, %eq3A_177 : vector<32x8xi32>
    %jit3A_179 = arith.constant 0.000000e+00 : f32
    %broadcast_in_dim3A_180 = vector.shape_cast %div3A_37 : vector<32x1xf32> to vector<32x1xf32>
    %broadcast_in_dim3A_181 = vector.broadcast %broadcast_in_dim3A_180 : vector<32x1xf32> to vector<32x8xf32>
    %broadcast_in_dim3A_182 = vector.broadcast %jit3A_179 : f32 to vector<32x8xf32>
    %select_n3A_183 = arith.select %eq3A_178, %broadcast_in_dim3A_181, %broadcast_in_dim3A_182 : vector<32x8xi1>, vector<32x8xf32>
    %broadcast_in_dim3A_184 = vector.shape_cast %div3A_33 : vector<32x1xf32> to vector<32x1xf32>
    %broadcast_in_dim3A_185 = vector.broadcast %broadcast_in_dim3A_184 : vector<32x1xf32> to vector<32x8xf32>
    %select_n3A_186 = arith.select %eq3A_175, %broadcast_in_dim3A_185, %select_n3A_183 : vector<32x8xi1>, vector<32x8xf32>
    %broadcast_in_dim3A_187 = vector.shape_cast %convert_element_type3A_166 : vector<32x1xf32> to vector<32x1xf32>
    %broadcast_in_dim3A_188 = vector.broadcast %broadcast_in_dim3A_187 : vector<32x1xf32> to vector<32x8xf32>
    %select_n3A_189 = arith.select %eq3A_172, %broadcast_in_dim3A_188, %select_n3A_186 : vector<32x8xi1>, vector<32x8xf32>
    %broadcast_in_dim3A_190 = vector.shape_cast %convert_element_type3A_165 : vector<32x1xf32> to vector<32x1xf32>
    %broadcast_in_dim3A_191 = vector.broadcast %broadcast_in_dim3A_190 : vector<32x1xf32> to vector<32x8xf32>
    %select_n3A_192 = arith.select %eq3A_169, %broadcast_in_dim3A_191, %select_n3A_189 : vector<32x8xi1>, vector<32x8xf32>
    %swap3A_193 = arith.constant 0 : index
    %swap3A_194 = arith.constant 0 : index
    %swap3A_195 = vector.load %arg3[%swap3A_193, %swap3A_194] : memref<32x8xf32, #tpu.memory_space<vmem>>, vector<32x8xf32>
    tpu.vector_store %arg3[%swap3A_193, %swap3A_194], %select_n3A_192 {strides = array<i32>} : memref<32x8xf32, #tpu.memory_space<vmem>>, vector<32x8xf32>,
    %eq3A_196 = arith.constant 7 : i32
    %eq3A_197 = arith.cmpi eq, %arg0, %eq3A_196 : i32
    %convert_element_type3A_198 = arith.extui %eq3A_197 : i1 to i32
    %cond3A_199 = arith.constant 0 : i32
    %cond3A_200 = arith.cmpi ne, %convert_element_type3A_198, %cond3A_199 : i32
    scf.if %cond3A_200 {
      %get3A_201 = arith.constant 0 : index
      %get3A_202 = memref.load %arg5[%get3A_201] : memref<4xf32, #tpu.memory_space<smem>>
      %get3A_203 = arith.constant 1 : index
      %get3A_204 = memref.load %arg5[%get3A_203] : memref<4xf32, #tpu.memory_space<smem>>
      %get3A_205 = arith.constant 2 : index
      %get3A_206 = memref.load %arg5[%get3A_205] : memref<4xf32, #tpu.memory_space<smem>>
      %get3A_207 = arith.constant 3 : index
      %get3A_208 = memref.load %arg5[%get3A_207] : memref<4xf32, #tpu.memory_space<smem>>
      %get3A_209 = arith.constant 0 : index
      %get3A_210 = memref.load %arg6[%get3A_209] : memref<4xf32, #tpu.memory_space<smem>>
      %get3A_211 = arith.constant 1 : index
      %get3A_212 = memref.load %arg6[%get3A_211] : memref<4xf32, #tpu.memory_space<smem>>
      %get3A_213 = arith.constant 2 : index
      %get3A_214 = memref.load %arg6[%get3A_213] : memref<4xf32, #tpu.memory_space<smem>>
      %get3A_215 = arith.constant 3 : index
      %get3A_216 = memref.load %arg6[%get3A_215] : memref<4xf32, #tpu.memory_space<smem>>
      %add3A_217 = arith.addf %get3A_202, %get3A_204 : f32
      %add3A_218 = arith.addf %add3A_217, %get3A_206 : f32
      %add3A_219 = arith.addf %add3A_218, %get3A_208 : f32
      %div3A_220 = arith.constant 4.000000e+00 : f32
      %div3A_221 = arith.divf %add3A_219, %div3A_220 : f32
      %add3A_222 = arith.addf %get3A_210, %get3A_212 : f32
      %add3A_223 = arith.addf %add3A_222, %get3A_214 : f32
      %add3A_224 = arith.addf %add3A_223, %get3A_216 : f32
      %div3A_225 = arith.constant 4.000000e+00 : f32
      %div3A_226 = arith.divf %add3A_224, %div3A_225 : f32
      %sub3A_227 = arith.subf %get3A_202, %div3A_221 : f32
      %integer_pow3A = arith.mulf %sub3A_227, %sub3A_227 : f32
      %sub3A_228 = arith.subf %get3A_204, %div3A_221 : f32
      %integer_pow3A_229 = arith.mulf %sub3A_228, %sub3A_228 : f32
      %add3A_230 = arith.addf %integer_pow3A, %integer_pow3A_229 : f32
      %sub3A_231 = arith.subf %get3A_206, %div3A_221 : f32
      %integer_pow3A_232 = arith.mulf %sub3A_231, %sub3A_231 : f32
      %add3A_233 = arith.addf %add3A_230, %integer_pow3A_232 : f32
      %sub3A_234 = arith.subf %get3A_208, %div3A_221 : f32
      %integer_pow3A_235 = arith.mulf %sub3A_234, %sub3A_234 : f32
      %add3A_236 = arith.addf %add3A_233, %integer_pow3A_235 : f32
      %div3A_237 = arith.constant 3.000000e+00 : f32
      %div3A_238 = arith.divf %add3A_236, %div3A_237 : f32
      %sub3A_239 = arith.subf %get3A_210, %div3A_226 : f32
      %integer_pow3A_240 = arith.mulf %sub3A_239, %sub3A_239 : f32
      %sub3A_241 = arith.subf %get3A_212, %div3A_226 : f32
      %integer_pow3A_242 = arith.mulf %sub3A_241, %sub3A_241 : f32
      %add3A_243 = arith.addf %integer_pow3A_240, %integer_pow3A_242 : f32
      %sub3A_244 = arith.subf %get3A_214, %div3A_226 : f32
      %integer_pow3A_245 = arith.mulf %sub3A_244, %sub3A_244 : f32
      %add3A_246 = arith.addf %add3A_243, %integer_pow3A_245 : f32
      %sub3A_247 = arith.subf %get3A_216, %div3A_226 : f32
      %integer_pow3A_248 = arith.mulf %sub3A_247, %sub3A_247 : f32
      %add3A_249 = arith.addf %add3A_246, %integer_pow3A_248 : f32
      %div3A_250 = arith.constant 3.000000e+00 : f32
      %div3A_251 = arith.divf %add3A_249, %div3A_250 : f32
      %mul3A = arith.mulf %div3A_221, %div3A_221 : f32
      %add3A_252 = arith.constant 1.000000e-10 : f32
      %add3A_253 = arith.addf %mul3A, %add3A_252 : f32
      %div3A_254 = arith.divf %div3A_238, %add3A_253 : f32
      %mul3A_255 = arith.mulf %div3A_226, %div3A_226 : f32
      %add3A_256 = arith.constant 1.000000e-10 : f32
      %add3A_257 = arith.addf %mul3A_255, %add3A_256 : f32
      %div3A_258 = arith.divf %div3A_251, %add3A_257 : f32
      %add3A_259 = arith.addf %div3A_254, %div3A_258 : f32
      %mul3A_260 = arith.constant 0.00999999977 : f32
      %mul3A_261 = arith.mulf %add3A_259, %mul3A_260 : f32
      %broadcast_in_dim3A_262 = vector.broadcast %mul3A_261 : f32 to vector<1x1xf32>
      %swap3A_263 = arith.constant 0 : index
      %swap3A_264 = arith.constant 0 : index
      %swap3A_265 = vector.load %arg4[%swap3A_263, %swap3A_264] : memref<1x1xf32, #tpu.memory_space<vmem>>, vector<1x1xf32>
      tpu.vector_store %arg4[%swap3A_263, %swap3A_264], %broadcast_in_dim3A_262 {strides = array<i32>} : memref<1x1xf32, #tpu.memory_space<vmem>>, vector<1x1xf32>,
    } else {
    }
    return
  }
  func.func @transform_0(%arg0: i32) -> (i32, i32) {
    %c0_i32 = arith.constant 0 : i32
    %c0_i32_0 = arith.constant 0 : i32
    return %arg0, %c0_i32 : i32, i32
  }
  func.func @transform_1(%arg0: i32) -> (i32, i32) {
    %c0_i32 = arith.constant 0 : i32
    %c0_i32_0 = arith.constant 0 : i32
    %c0_i32_1 = arith.constant 0 : i32
    return %c0_i32, %c0_i32_0 : i32, i32
  }
  func.func @transform_2(%arg0: i32) -> (i32, i32) {
    %c0_i32 = arith.constant 0 : i32
    %c0_i32_0 = arith.constant 0 : i32
    return %arg0, %c0_i32 : i32, i32
  }
  func.func @transform_3(%arg0: i32) -> (i32, i32) {
    %c0_i32 = arith.constant 0 : i32
    %c0_i32_0 = arith.constant 0 : i32
    %c0_i32_1 = arith.constant 0 : i32
    return %c0_i32, %c0_i32_0 : i32, i32
  }
}

module attributes {stable_mosaic.version = 14 : i64} {
  func.func @_moe_kernel(%arg0: i32, %arg1: memref<256xi32, #tpu.memory_space<smem>>, %arg2: memref<256xi32, #tpu.memory_space<smem>>, %arg3: memref<256xf32, #tpu.memory_space<smem>>, %arg4: memref<256xf32, #tpu.memory_space<smem>>, %arg5: memref<1x64x512xf32, #tpu.memory_space<vmem>>, %arg6: memref<512x32xf32, #tpu.memory_space<vmem>>, %arg7: memref<1x32xf32, #tpu.memory_space<vmem>>, %arg8: memref<32x32xf32, #tpu.memory_space<vmem>>, %arg9: memref<1x32xf32, #tpu.memory_space<vmem>>, %arg10: memref<32x512xf32, #tpu.memory_space<vmem>>, %arg11: memref<1x512xf32, #tpu.memory_space<vmem>>, %arg12: memref<512x64xf32, #tpu.memory_space<vmem>>, %arg13: memref<1x64xf32, #tpu.memory_space<vmem>>, %arg14: memref<64x64xf32, #tpu.memory_space<vmem>>, %arg15: memref<1x64xf32, #tpu.memory_space<vmem>>, %arg16: memref<64x512xf32, #tpu.memory_space<vmem>>, %arg17: memref<1x512xf32, #tpu.memory_space<vmem>>, %arg18: memref<512x128xf32, #tpu.memory_space<vmem>>, %arg19: memref<1x128xf32, #tpu.memory_space<vmem>>, %arg20: memref<128x128xf32, #tpu.memory_space<vmem>>, %arg21: memref<1x128xf32, #tpu.memory_space<vmem>>, %arg22: memref<128x512xf32, #tpu.memory_space<vmem>>, %arg23: memref<1x512xf32, #tpu.memory_space<vmem>>, %arg24: memref<512x256xf32, #tpu.memory_space<vmem>>, %arg25: memref<1x256xf32, #tpu.memory_space<vmem>>, %arg26: memref<256x256xf32, #tpu.memory_space<vmem>>, %arg27: memref<1x256xf32, #tpu.memory_space<vmem>>, %arg28: memref<256x512xf32, #tpu.memory_space<vmem>>, %arg29: memref<1x512xf32, #tpu.memory_space<vmem>>, %arg30: memref<1x64x512xf32, #tpu.memory_space<vmem>>) attributes {dimension_semantics = [#tpu.dimension_semantics<arbitrary>], iteration_bounds = array<i64: 256>, scalar_prefetch = 4 : i64, scratch_operands = 0 : i64, tpu.core_type = #tpu.core_type<tc>, window_params = [{transform_indices = @transform_0, window_bounds = array<i64: 1, 64, 512>}, {pipeline_mode = #tpu.pipeline_mode<synchronous>, transform_indices = @transform_1, window_bounds = array<i64: 512, 32>}, {pipeline_mode = #tpu.pipeline_mode<synchronous>, transform_indices = @transform_2, window_bounds = array<i64: 1, 32>}, {pipeline_mode = #tpu.pipeline_mode<synchronous>, transform_indices = @transform_3, window_bounds = array<i64: 32, 32>}, {pipeline_mode = #tpu.pipeline_mode<synchronous>, transform_indices = @transform_4, window_bounds = array<i64: 1, 32>}, {pipeline_mode = #tpu.pipeline_mode<synchronous>, transform_indices = @transform_5, window_bounds = array<i64: 32, 512>}, {pipeline_mode = #tpu.pipeline_mode<synchronous>, transform_indices = @transform_6, window_bounds = array<i64: 1, 512>}, {pipeline_mode = #tpu.pipeline_mode<synchronous>, transform_indices = @transform_7, window_bounds = array<i64: 512, 64>}, {pipeline_mode = #tpu.pipeline_mode<synchronous>, transform_indices = @transform_8, window_bounds = array<i64: 1, 64>}, {pipeline_mode = #tpu.pipeline_mode<synchronous>, transform_indices = @transform_9, window_bounds = array<i64: 64, 64>}, {pipeline_mode = #tpu.pipeline_mode<synchronous>, transform_indices = @transform_10, window_bounds = array<i64: 1, 64>}, {pipeline_mode = #tpu.pipeline_mode<synchronous>, transform_indices = @transform_11, window_bounds = array<i64: 64, 512>}, {pipeline_mode = #tpu.pipeline_mode<synchronous>, transform_indices = @transform_12, window_bounds = array<i64: 1, 512>}, {pipeline_mode = #tpu.pipeline_mode<synchronous>, transform_indices = @transform_13, window_bounds = array<i64: 512, 128>}, {pipeline_mode = #tpu.pipeline_mode<synchronous>, transform_indices = @transform_14, window_bounds = array<i64: 1, 128>}, {pipeline_mode = #tpu.pipeline_mode<synchronous>, transform_indices = @transform_15, window_bounds = array<i64: 128, 128>}, {pipeline_mode = #tpu.pipeline_mode<synchronous>, transform_indices = @transform_16, window_bounds = array<i64: 1, 128>}, {pipeline_mode = #tpu.pipeline_mode<synchronous>, transform_indices = @transform_17, window_bounds = array<i64: 128, 512>}, {pipeline_mode = #tpu.pipeline_mode<synchronous>, transform_indices = @transform_18, window_bounds = array<i64: 1, 512>}, {pipeline_mode = #tpu.pipeline_mode<synchronous>, transform_indices = @transform_19, window_bounds = array<i64: 512, 256>}, {pipeline_mode = #tpu.pipeline_mode<synchronous>, transform_indices = @transform_20, window_bounds = array<i64: 1, 256>}, {pipeline_mode = #tpu.pipeline_mode<synchronous>, transform_indices = @transform_21, window_bounds = array<i64: 256, 256>}, {pipeline_mode = #tpu.pipeline_mode<synchronous>, transform_indices = @transform_22, window_bounds = array<i64: 1, 256>}, {pipeline_mode = #tpu.pipeline_mode<synchronous>, transform_indices = @transform_23, window_bounds = array<i64: 256, 512>}, {pipeline_mode = #tpu.pipeline_mode<synchronous>, transform_indices = @transform_24, window_bounds = array<i64: 1, 512>}, {transform_indices = @transform_25, window_bounds = array<i64: 1, 64, 512>}]} {
    %get3A = arith.index_cast %arg0 : i32 to index
    %get3A_0 = memref.load %arg1[%get3A] : memref<256xi32, #tpu.memory_space<smem>>
    %get3A_1 = arith.index_cast %arg0 : i32 to index
    %get3A_2 = memref.load %arg2[%get3A_1] : memref<256xi32, #tpu.memory_space<smem>>
    %get3A_3 = arith.index_cast %arg0 : i32 to index
    %get3A_4 = memref.load %arg3[%get3A_3] : memref<256xf32, #tpu.memory_space<smem>>
    %get3A_5 = arith.index_cast %arg0 : i32 to index
    %get3A_6 = memref.load %arg4[%get3A_5] : memref<256xf32, #tpu.memory_space<smem>>
    %get3A_7 = arith.constant 0 : index
    %get3A_8 = arith.constant 0 : index
    %get3A_9 = arith.constant 0 : index
    %get3A_10 = vector.load %arg5[%get3A_7, %get3A_8, %get3A_9] : memref<1x64x512xf32, #tpu.memory_space<vmem>>, vector<1x64x512xf32>
    %get3A_11 = vector.shape_cast %get3A_10 : vector<1x64x512xf32> to vector<64x512xf32>
    %eq3A = arith.constant 0 : i32
    %eq3A_12 = arith.cmpi eq, %get3A_0, %eq3A : i32
    %jit3A = arith.constant 0.000000e+00 : f32
    %select_n3A = arith.select %eq3A_12, %get3A_4, %jit3A : f32
    %eq3A_13 = arith.constant 0 : i32
    %eq3A_14 = arith.cmpi eq, %get3A_2, %eq3A_13 : i32
    %jit3A_15 = arith.constant 0.000000e+00 : f32
    %select_n3A_16 = arith.select %eq3A_14, %get3A_6, %jit3A_15 : f32
    %add3A = arith.addf %select_n3A, %select_n3A_16 : f32
    %eq3A_17 = arith.constant 1 : i32
    %eq3A_18 = arith.cmpi eq, %get3A_0, %eq3A_17 : i32
    %jit3A_19 = arith.constant 0.000000e+00 : f32
    %select_n3A_20 = arith.select %eq3A_18, %get3A_4, %jit3A_19 : f32
    %eq3A_21 = arith.constant 1 : i32
    %eq3A_22 = arith.cmpi eq, %get3A_2, %eq3A_21 : i32
    %jit3A_23 = arith.constant 0.000000e+00 : f32
    %select_n3A_24 = arith.select %eq3A_22, %get3A_6, %jit3A_23 : f32
    %add3A_25 = arith.addf %select_n3A_20, %select_n3A_24 : f32
    %eq3A_26 = arith.constant 2 : i32
    %eq3A_27 = arith.cmpi eq, %get3A_0, %eq3A_26 : i32
    %jit3A_28 = arith.constant 0.000000e+00 : f32
    %select_n3A_29 = arith.select %eq3A_27, %get3A_4, %jit3A_28 : f32
    %eq3A_30 = arith.constant 2 : i32
    %eq3A_31 = arith.cmpi eq, %get3A_2, %eq3A_30 : i32
    %jit3A_32 = arith.constant 0.000000e+00 : f32
    %select_n3A_33 = arith.select %eq3A_31, %get3A_6, %jit3A_32 : f32
    %add3A_34 = arith.addf %select_n3A_29, %select_n3A_33 : f32
    %eq3A_35 = arith.constant 3 : i32
    %eq3A_36 = arith.cmpi eq, %get3A_0, %eq3A_35 : i32
    %jit3A_37 = arith.constant 0.000000e+00 : f32
    %select_n3A_38 = arith.select %eq3A_36, %get3A_4, %jit3A_37 : f32
    %eq3A_39 = arith.constant 3 : i32
    %eq3A_40 = arith.cmpi eq, %get3A_2, %eq3A_39 : i32
    %jit3A_41 = arith.constant 0.000000e+00 : f32
    %select_n3A_42 = arith.select %eq3A_40, %get3A_6, %jit3A_41 : f32
    %add3A_43 = arith.addf %select_n3A_38, %select_n3A_42 : f32
    %add3A_44 = arith.addf %add3A, %add3A_25 : f32
    %add3A_45 = arith.addf %add3A_44, %add3A_34 : f32
    %add3A_46 = arith.addf %add3A_45, %add3A_43 : f32
    %mul3A = vector.broadcast %add3A_46 : f32 to vector<64x512xf32>
    %mul3A_47 = arith.mulf %get3A_11, %mul3A : vector<64x512xf32>
    %swap3A = arith.constant 0 : index
    %swap3A_48 = arith.constant 0 : index
    %swap3A_49 = arith.constant 0 : index
    %swap3A_50 = vector.load %arg30[%swap3A, %swap3A_48, %swap3A_49] : memref<1x64x512xf32, #tpu.memory_space<vmem>>, vector<1x64x512xf32>
    %swap3A_51 = vector.shape_cast %swap3A_50 : vector<1x64x512xf32> to vector<64x512xf32>
    %swap3A_52 = vector.shape_cast %mul3A_47 : vector<64x512xf32> to vector<1x64x512xf32>
    tpu.vector_store %arg30[%swap3A, %swap3A_48, %swap3A_49], %swap3A_52 {strides = array<i32>} : memref<1x64x512xf32, #tpu.memory_space<vmem>>, vector<1x64x512xf32>,
    %gt3A = arith.constant 0.000000e+00 : f32
    %gt3A_53 = arith.cmpf ogt, %add3A, %gt3A : f32
    %convert_element_type3A = arith.extui %gt3A_53 : i1 to i32
    %cond3A = arith.constant 0 : i32
    %cond3A_54 = arith.cmpi ne, %convert_element_type3A, %cond3A : i32
    scf.if %cond3A_54 {
      %get3A_70 = arith.constant 0 : index
      %get3A_71 = arith.constant 0 : index
      %get3A_72 = vector.load %arg6[%get3A_70, %get3A_71] : memref<512x32xf32, #tpu.memory_space<vmem>>, vector<512x32xf32>
      %dot_general3A = arith.constant dense<0.000000e+00> : vector<64x32xf32>
      %dot_general3A_73 = tpu.matmul %get3A_11, %get3A_72, %dot_general3A {dimension_numbers = #tpu.dot_dimension_numbers<[1], [0], [0], [1], [0, 0, 1, 1], [], []>, transpose_lhs_hint = false} : vector<64x512xf32>, vector<512x32xf32>, vector<64x32xf32> -> vector<64x32xf32>
      %get3A_74 = arith.constant 0 : index
      %get3A_75 = arith.constant 0 : index
      %get3A_76 = vector.load %arg7[%get3A_74, %get3A_75] : memref<1x32xf32, #tpu.memory_space<vmem>>, vector<1x32xf32>
      %add3A_77 = vector.broadcast %get3A_76 : vector<1x32xf32> to vector<64x32xf32>
      %add3A_78 = arith.addf %dot_general3A_73, %add3A_77 : vector<64x32xf32>
      %mul3A_79 = arith.constant 5.000000e-01 : f32
      %mul3A_80 = vector.broadcast %mul3A_79 : f32 to vector<64x32xf32>
      %mul3A_81 = arith.mulf %mul3A_80, %add3A_78 : vector<64x32xf32>
      %mul3A_82 = arith.constant 0.707106769 : f32
      %mul3A_83 = vector.broadcast %mul3A_82 : f32 to vector<64x32xf32>
      %mul3A_84 = arith.mulf %add3A_78, %mul3A_83 : vector<64x32xf32>
      %erf3A = math.erf %mul3A_84 : vector<64x32xf32>
      %add3A_85 = arith.constant 1.000000e+00 : f32
      %add3A_86 = vector.broadcast %add3A_85 : f32 to vector<64x32xf32>
      %add3A_87 = arith.addf %add3A_86, %erf3A : vector<64x32xf32>
      %mul3A_88 = arith.mulf %mul3A_81, %add3A_87 : vector<64x32xf32>
      %get3A_89 = arith.constant 0 : index
      %get3A_90 = arith.constant 0 : index
      %get3A_91 = vector.load %arg8[%get3A_89, %get3A_90] : memref<32x32xf32, #tpu.memory_space<vmem>>, vector<32x32xf32>
      %dot_general3A_92 = arith.constant dense<0.000000e+00> : vector<64x32xf32>
      %dot_general3A_93 = tpu.matmul %mul3A_88, %get3A_91, %dot_general3A_92 {dimension_numbers = #tpu.dot_dimension_numbers<[1], [0], [0], [1], [0, 0, 1, 1], [], []>, transpose_lhs_hint = false} : vector<64x32xf32>, vector<32x32xf32>, vector<64x32xf32> -> vector<64x32xf32>
      %get3A_94 = arith.constant 0 : index
      %get3A_95 = arith.constant 0 : index
      %get3A_96 = vector.load %arg9[%get3A_94, %get3A_95] : memref<1x32xf32, #tpu.memory_space<vmem>>, vector<1x32xf32>
      %add3A_97 = vector.broadcast %get3A_96 : vector<1x32xf32> to vector<64x32xf32>
      %add3A_98 = arith.addf %dot_general3A_93, %add3A_97 : vector<64x32xf32>
      %mul3A_99 = arith.constant 5.000000e-01 : f32
      %mul3A_100 = vector.broadcast %mul3A_99 : f32 to vector<64x32xf32>
      %mul3A_101 = arith.mulf %mul3A_100, %add3A_98 : vector<64x32xf32>
      %mul3A_102 = arith.constant 0.707106769 : f32
      %mul3A_103 = vector.broadcast %mul3A_102 : f32 to vector<64x32xf32>
      %mul3A_104 = arith.mulf %add3A_98, %mul3A_103 : vector<64x32xf32>
      %erf3A_105 = math.erf %mul3A_104 : vector<64x32xf32>
      %add3A_106 = arith.constant 1.000000e+00 : f32
      %add3A_107 = vector.broadcast %add3A_106 : f32 to vector<64x32xf32>
      %add3A_108 = arith.addf %add3A_107, %erf3A_105 : vector<64x32xf32>
      %mul3A_109 = arith.mulf %mul3A_101, %add3A_108 : vector<64x32xf32>
      %get3A_110 = arith.constant 0 : index
      %get3A_111 = arith.constant 0 : index
      %get3A_112 = vector.load %arg10[%get3A_110, %get3A_111] : memref<32x512xf32, #tpu.memory_space<vmem>>, vector<32x512xf32>
      %dot_general3A_113 = arith.constant dense<0.000000e+00> : vector<64x512xf32>
      %dot_general3A_114 = tpu.matmul %mul3A_109, %get3A_112, %dot_general3A_113 {dimension_numbers = #tpu.dot_dimension_numbers<[1], [0], [0], [1], [0, 0, 1, 1], [], []>, transpose_lhs_hint = false} : vector<64x32xf32>, vector<32x512xf32>, vector<64x512xf32> -> vector<64x512xf32>
      %get3A_115 = arith.constant 0 : index
      %get3A_116 = arith.constant 0 : index
      %get3A_117 = vector.load %arg11[%get3A_115, %get3A_116] : memref<1x512xf32, #tpu.memory_space<vmem>>, vector<1x512xf32>
      %add3A_118 = vector.broadcast %get3A_117 : vector<1x512xf32> to vector<64x512xf32>
      %add3A_119 = arith.addf %dot_general3A_114, %add3A_118 : vector<64x512xf32>
      %get3A_120 = arith.constant 0 : index
      %get3A_121 = arith.constant 0 : index
      %get3A_122 = arith.constant 0 : index
      %get3A_123 = vector.load %arg30[%get3A_120, %get3A_121, %get3A_122] : memref<1x64x512xf32, #tpu.memory_space<vmem>>, vector<1x64x512xf32>
      %get3A_124 = vector.shape_cast %get3A_123 : vector<1x64x512xf32> to vector<64x512xf32>
      %mul3A_125 = vector.broadcast %add3A : f32 to vector<64x512xf32>
      %mul3A_126 = arith.mulf %mul3A_125, %add3A_119 : vector<64x512xf32>
      %add3A_127 = arith.addf %get3A_124, %mul3A_126 : vector<64x512xf32>
      %swap3A_128 = arith.constant 0 : index
      %swap3A_129 = arith.constant 0 : index
      %swap3A_130 = arith.constant 0 : index
      %swap3A_131 = vector.load %arg30[%swap3A_128, %swap3A_129, %swap3A_130] : memref<1x64x512xf32, #tpu.memory_space<vmem>>, vector<1x64x512xf32>
      %swap3A_132 = vector.shape_cast %swap3A_131 : vector<1x64x512xf32> to vector<64x512xf32>
      %swap3A_133 = vector.shape_cast %add3A_127 : vector<64x512xf32> to vector<1x64x512xf32>
      tpu.vector_store %arg30[%swap3A_128, %swap3A_129, %swap3A_130], %swap3A_133 {strides = array<i32>} : memref<1x64x512xf32, #tpu.memory_space<vmem>>, vector<1x64x512xf32>,
    } else {
    }
    %gt3A_55 = arith.constant 0.000000e+00 : f32
    %gt3A_56 = arith.cmpf ogt, %add3A_25, %gt3A_55 : f32
    %convert_element_type3A_57 = arith.extui %gt3A_56 : i1 to i32
    %cond3A_58 = arith.constant 0 : i32
    %cond3A_59 = arith.cmpi ne, %convert_element_type3A_57, %cond3A_58 : i32
    scf.if %cond3A_59 {
      %get3A_70 = arith.constant 0 : index
      %get3A_71 = arith.constant 0 : index
      %get3A_72 = vector.load %arg12[%get3A_70, %get3A_71] : memref<512x64xf32, #tpu.memory_space<vmem>>, vector<512x64xf32>
      %dot_general3A = arith.constant dense<0.000000e+00> : vector<64x64xf32>
      %dot_general3A_73 = tpu.matmul %get3A_11, %get3A_72, %dot_general3A {dimension_numbers = #tpu.dot_dimension_numbers<[1], [0], [0], [1], [0, 0, 1, 1], [], []>, transpose_lhs_hint = false} : vector<64x512xf32>, vector<512x64xf32>, vector<64x64xf32> -> vector<64x64xf32>
      %get3A_74 = arith.constant 0 : index
      %get3A_75 = arith.constant 0 : index
      %get3A_76 = vector.load %arg13[%get3A_74, %get3A_75] : memref<1x64xf32, #tpu.memory_space<vmem>>, vector<1x64xf32>
      %add3A_77 = vector.broadcast %get3A_76 : vector<1x64xf32> to vector<64x64xf32>
      %add3A_78 = arith.addf %dot_general3A_73, %add3A_77 : vector<64x64xf32>
      %mul3A_79 = arith.constant 5.000000e-01 : f32
      %mul3A_80 = vector.broadcast %mul3A_79 : f32 to vector<64x64xf32>
      %mul3A_81 = arith.mulf %mul3A_80, %add3A_78 : vector<64x64xf32>
      %mul3A_82 = arith.constant 0.707106769 : f32
      %mul3A_83 = vector.broadcast %mul3A_82 : f32 to vector<64x64xf32>
      %mul3A_84 = arith.mulf %add3A_78, %mul3A_83 : vector<64x64xf32>
      %erf3A = math.erf %mul3A_84 : vector<64x64xf32>
      %add3A_85 = arith.constant 1.000000e+00 : f32
      %add3A_86 = vector.broadcast %add3A_85 : f32 to vector<64x64xf32>
      %add3A_87 = arith.addf %add3A_86, %erf3A : vector<64x64xf32>
      %mul3A_88 = arith.mulf %mul3A_81, %add3A_87 : vector<64x64xf32>
      %get3A_89 = arith.constant 0 : index
      %get3A_90 = arith.constant 0 : index
      %get3A_91 = vector.load %arg14[%get3A_89, %get3A_90] : memref<64x64xf32, #tpu.memory_space<vmem>>, vector<64x64xf32>
      %dot_general3A_92 = arith.constant dense<0.000000e+00> : vector<64x64xf32>
      %dot_general3A_93 = tpu.matmul %mul3A_88, %get3A_91, %dot_general3A_92 {dimension_numbers = #tpu.dot_dimension_numbers<[1], [0], [0], [1], [0, 0, 1, 1], [], []>, transpose_lhs_hint = false} : vector<64x64xf32>, vector<64x64xf32>, vector<64x64xf32> -> vector<64x64xf32>
      %get3A_94 = arith.constant 0 : index
      %get3A_95 = arith.constant 0 : index
      %get3A_96 = vector.load %arg15[%get3A_94, %get3A_95] : memref<1x64xf32, #tpu.memory_space<vmem>>, vector<1x64xf32>
      %add3A_97 = vector.broadcast %get3A_96 : vector<1x64xf32> to vector<64x64xf32>
      %add3A_98 = arith.addf %dot_general3A_93, %add3A_97 : vector<64x64xf32>
      %mul3A_99 = arith.constant 5.000000e-01 : f32
      %mul3A_100 = vector.broadcast %mul3A_99 : f32 to vector<64x64xf32>
      %mul3A_101 = arith.mulf %mul3A_100, %add3A_98 : vector<64x64xf32>
      %mul3A_102 = arith.constant 0.707106769 : f32
      %mul3A_103 = vector.broadcast %mul3A_102 : f32 to vector<64x64xf32>
      %mul3A_104 = arith.mulf %add3A_98, %mul3A_103 : vector<64x64xf32>
      %erf3A_105 = math.erf %mul3A_104 : vector<64x64xf32>
      %add3A_106 = arith.constant 1.000000e+00 : f32
      %add3A_107 = vector.broadcast %add3A_106 : f32 to vector<64x64xf32>
      %add3A_108 = arith.addf %add3A_107, %erf3A_105 : vector<64x64xf32>
      %mul3A_109 = arith.mulf %mul3A_101, %add3A_108 : vector<64x64xf32>
      %get3A_110 = arith.constant 0 : index
      %get3A_111 = arith.constant 0 : index
      %get3A_112 = vector.load %arg16[%get3A_110, %get3A_111] : memref<64x512xf32, #tpu.memory_space<vmem>>, vector<64x512xf32>
      %dot_general3A_113 = arith.constant dense<0.000000e+00> : vector<64x512xf32>
      %dot_general3A_114 = tpu.matmul %mul3A_109, %get3A_112, %dot_general3A_113 {dimension_numbers = #tpu.dot_dimension_numbers<[1], [0], [0], [1], [0, 0, 1, 1], [], []>, transpose_lhs_hint = false} : vector<64x64xf32>, vector<64x512xf32>, vector<64x512xf32> -> vector<64x512xf32>
      %get3A_115 = arith.constant 0 : index
      %get3A_116 = arith.constant 0 : index
      %get3A_117 = vector.load %arg17[%get3A_115, %get3A_116] : memref<1x512xf32, #tpu.memory_space<vmem>>, vector<1x512xf32>
      %add3A_118 = vector.broadcast %get3A_117 : vector<1x512xf32> to vector<64x512xf32>
      %add3A_119 = arith.addf %dot_general3A_114, %add3A_118 : vector<64x512xf32>
      %get3A_120 = arith.constant 0 : index
      %get3A_121 = arith.constant 0 : index
      %get3A_122 = arith.constant 0 : index
      %get3A_123 = vector.load %arg30[%get3A_120, %get3A_121, %get3A_122] : memref<1x64x512xf32, #tpu.memory_space<vmem>>, vector<1x64x512xf32>
      %get3A_124 = vector.shape_cast %get3A_123 : vector<1x64x512xf32> to vector<64x512xf32>
      %mul3A_125 = vector.broadcast %add3A_25 : f32 to vector<64x512xf32>
      %mul3A_126 = arith.mulf %mul3A_125, %add3A_119 : vector<64x512xf32>
      %add3A_127 = arith.addf %get3A_124, %mul3A_126 : vector<64x512xf32>
      %swap3A_128 = arith.constant 0 : index
      %swap3A_129 = arith.constant 0 : index
      %swap3A_130 = arith.constant 0 : index
      %swap3A_131 = vector.load %arg30[%swap3A_128, %swap3A_129, %swap3A_130] : memref<1x64x512xf32, #tpu.memory_space<vmem>>, vector<1x64x512xf32>
      %swap3A_132 = vector.shape_cast %swap3A_131 : vector<1x64x512xf32> to vector<64x512xf32>
      %swap3A_133 = vector.shape_cast %add3A_127 : vector<64x512xf32> to vector<1x64x512xf32>
      tpu.vector_store %arg30[%swap3A_128, %swap3A_129, %swap3A_130], %swap3A_133 {strides = array<i32>} : memref<1x64x512xf32, #tpu.memory_space<vmem>>, vector<1x64x512xf32>,
    } else {
    }
    %gt3A_60 = arith.constant 0.000000e+00 : f32
    %gt3A_61 = arith.cmpf ogt, %add3A_34, %gt3A_60 : f32
    %convert_element_type3A_62 = arith.extui %gt3A_61 : i1 to i32
    %cond3A_63 = arith.constant 0 : i32
    %cond3A_64 = arith.cmpi ne, %convert_element_type3A_62, %cond3A_63 : i32
    scf.if %cond3A_64 {
      %get3A_70 = arith.constant 0 : index
      %get3A_71 = arith.constant 0 : index
      %get3A_72 = vector.load %arg18[%get3A_70, %get3A_71] : memref<512x128xf32, #tpu.memory_space<vmem>>, vector<512x128xf32>
      %dot_general3A = arith.constant dense<0.000000e+00> : vector<64x128xf32>
      %dot_general3A_73 = tpu.matmul %get3A_11, %get3A_72, %dot_general3A {dimension_numbers = #tpu.dot_dimension_numbers<[1], [0], [0], [1], [0, 0, 1, 1], [], []>, transpose_lhs_hint = false} : vector<64x512xf32>, vector<512x128xf32>, vector<64x128xf32> -> vector<64x128xf32>
      %get3A_74 = arith.constant 0 : index
      %get3A_75 = arith.constant 0 : index
      %get3A_76 = vector.load %arg19[%get3A_74, %get3A_75] : memref<1x128xf32, #tpu.memory_space<vmem>>, vector<1x128xf32>
      %add3A_77 = vector.broadcast %get3A_76 : vector<1x128xf32> to vector<64x128xf32>
      %add3A_78 = arith.addf %dot_general3A_73, %add3A_77 : vector<64x128xf32>
      %mul3A_79 = arith.constant 5.000000e-01 : f32
      %mul3A_80 = vector.broadcast %mul3A_79 : f32 to vector<64x128xf32>
      %mul3A_81 = arith.mulf %mul3A_80, %add3A_78 : vector<64x128xf32>
      %mul3A_82 = arith.constant 0.707106769 : f32
      %mul3A_83 = vector.broadcast %mul3A_82 : f32 to vector<64x128xf32>
      %mul3A_84 = arith.mulf %add3A_78, %mul3A_83 : vector<64x128xf32>
      %erf3A = math.erf %mul3A_84 : vector<64x128xf32>
      %add3A_85 = arith.constant 1.000000e+00 : f32
      %add3A_86 = vector.broadcast %add3A_85 : f32 to vector<64x128xf32>
      %add3A_87 = arith.addf %add3A_86, %erf3A : vector<64x128xf32>
      %mul3A_88 = arith.mulf %mul3A_81, %add3A_87 : vector<64x128xf32>
      %get3A_89 = arith.constant 0 : index
      %get3A_90 = arith.constant 0 : index
      %get3A_91 = vector.load %arg20[%get3A_89, %get3A_90] : memref<128x128xf32, #tpu.memory_space<vmem>>, vector<128x128xf32>
      %dot_general3A_92 = arith.constant dense<0.000000e+00> : vector<64x128xf32>
      %dot_general3A_93 = tpu.matmul %mul3A_88, %get3A_91, %dot_general3A_92 {dimension_numbers = #tpu.dot_dimension_numbers<[1], [0], [0], [1], [0, 0, 1, 1], [], []>, transpose_lhs_hint = false} : vector<64x128xf32>, vector<128x128xf32>, vector<64x128xf32> -> vector<64x128xf32>
      %get3A_94 = arith.constant 0 : index
      %get3A_95 = arith.constant 0 : index
      %get3A_96 = vector.load %arg21[%get3A_94, %get3A_95] : memref<1x128xf32, #tpu.memory_space<vmem>>, vector<1x128xf32>
      %add3A_97 = vector.broadcast %get3A_96 : vector<1x128xf32> to vector<64x128xf32>
      %add3A_98 = arith.addf %dot_general3A_93, %add3A_97 : vector<64x128xf32>
      %mul3A_99 = arith.constant 5.000000e-01 : f32
      %mul3A_100 = vector.broadcast %mul3A_99 : f32 to vector<64x128xf32>
      %mul3A_101 = arith.mulf %mul3A_100, %add3A_98 : vector<64x128xf32>
      %mul3A_102 = arith.constant 0.707106769 : f32
      %mul3A_103 = vector.broadcast %mul3A_102 : f32 to vector<64x128xf32>
      %mul3A_104 = arith.mulf %add3A_98, %mul3A_103 : vector<64x128xf32>
      %erf3A_105 = math.erf %mul3A_104 : vector<64x128xf32>
      %add3A_106 = arith.constant 1.000000e+00 : f32
      %add3A_107 = vector.broadcast %add3A_106 : f32 to vector<64x128xf32>
      %add3A_108 = arith.addf %add3A_107, %erf3A_105 : vector<64x128xf32>
      %mul3A_109 = arith.mulf %mul3A_101, %add3A_108 : vector<64x128xf32>
      %get3A_110 = arith.constant 0 : index
      %get3A_111 = arith.constant 0 : index
      %get3A_112 = vector.load %arg22[%get3A_110, %get3A_111] : memref<128x512xf32, #tpu.memory_space<vmem>>, vector<128x512xf32>
      %dot_general3A_113 = arith.constant dense<0.000000e+00> : vector<64x512xf32>
      %dot_general3A_114 = tpu.matmul %mul3A_109, %get3A_112, %dot_general3A_113 {dimension_numbers = #tpu.dot_dimension_numbers<[1], [0], [0], [1], [0, 0, 1, 1], [], []>, transpose_lhs_hint = false} : vector<64x128xf32>, vector<128x512xf32>, vector<64x512xf32> -> vector<64x512xf32>
      %get3A_115 = arith.constant 0 : index
      %get3A_116 = arith.constant 0 : index
      %get3A_117 = vector.load %arg23[%get3A_115, %get3A_116] : memref<1x512xf32, #tpu.memory_space<vmem>>, vector<1x512xf32>
      %add3A_118 = vector.broadcast %get3A_117 : vector<1x512xf32> to vector<64x512xf32>
      %add3A_119 = arith.addf %dot_general3A_114, %add3A_118 : vector<64x512xf32>
      %get3A_120 = arith.constant 0 : index
      %get3A_121 = arith.constant 0 : index
      %get3A_122 = arith.constant 0 : index
      %get3A_123 = vector.load %arg30[%get3A_120, %get3A_121, %get3A_122] : memref<1x64x512xf32, #tpu.memory_space<vmem>>, vector<1x64x512xf32>
      %get3A_124 = vector.shape_cast %get3A_123 : vector<1x64x512xf32> to vector<64x512xf32>
      %mul3A_125 = vector.broadcast %add3A_34 : f32 to vector<64x512xf32>
      %mul3A_126 = arith.mulf %mul3A_125, %add3A_119 : vector<64x512xf32>
      %add3A_127 = arith.addf %get3A_124, %mul3A_126 : vector<64x512xf32>
      %swap3A_128 = arith.constant 0 : index
      %swap3A_129 = arith.constant 0 : index
      %swap3A_130 = arith.constant 0 : index
      %swap3A_131 = vector.load %arg30[%swap3A_128, %swap3A_129, %swap3A_130] : memref<1x64x512xf32, #tpu.memory_space<vmem>>, vector<1x64x512xf32>
      %swap3A_132 = vector.shape_cast %swap3A_131 : vector<1x64x512xf32> to vector<64x512xf32>
      %swap3A_133 = vector.shape_cast %add3A_127 : vector<64x512xf32> to vector<1x64x512xf32>
      tpu.vector_store %arg30[%swap3A_128, %swap3A_129, %swap3A_130], %swap3A_133 {strides = array<i32>} : memref<1x64x512xf32, #tpu.memory_space<vmem>>, vector<1x64x512xf32>,
    } else {
    }
    %gt3A_65 = arith.constant 0.000000e+00 : f32
    %gt3A_66 = arith.cmpf ogt, %add3A_43, %gt3A_65 : f32
    %convert_element_type3A_67 = arith.extui %gt3A_66 : i1 to i32
    %cond3A_68 = arith.constant 0 : i32
    %cond3A_69 = arith.cmpi ne, %convert_element_type3A_67, %cond3A_68 : i32
    scf.if %cond3A_69 {
      %get3A_70 = arith.constant 0 : index
      %get3A_71 = arith.constant 0 : index
      %get3A_72 = vector.load %arg24[%get3A_70, %get3A_71] : memref<512x256xf32, #tpu.memory_space<vmem>>, vector<512x256xf32>
      %dot_general3A = arith.constant dense<0.000000e+00> : vector<64x256xf32>
      %dot_general3A_73 = tpu.matmul %get3A_11, %get3A_72, %dot_general3A {dimension_numbers = #tpu.dot_dimension_numbers<[1], [0], [0], [1], [0, 0, 1, 1], [], []>, transpose_lhs_hint = false} : vector<64x512xf32>, vector<512x256xf32>, vector<64x256xf32> -> vector<64x256xf32>
      %get3A_74 = arith.constant 0 : index
      %get3A_75 = arith.constant 0 : index
      %get3A_76 = vector.load %arg25[%get3A_74, %get3A_75] : memref<1x256xf32, #tpu.memory_space<vmem>>, vector<1x256xf32>
      %add3A_77 = vector.broadcast %get3A_76 : vector<1x256xf32> to vector<64x256xf32>
      %add3A_78 = arith.addf %dot_general3A_73, %add3A_77 : vector<64x256xf32>
      %mul3A_79 = arith.constant 5.000000e-01 : f32
      %mul3A_80 = vector.broadcast %mul3A_79 : f32 to vector<64x256xf32>
      %mul3A_81 = arith.mulf %mul3A_80, %add3A_78 : vector<64x256xf32>
      %mul3A_82 = arith.constant 0.707106769 : f32
      %mul3A_83 = vector.broadcast %mul3A_82 : f32 to vector<64x256xf32>
      %mul3A_84 = arith.mulf %add3A_78, %mul3A_83 : vector<64x256xf32>
      %erf3A = math.erf %mul3A_84 : vector<64x256xf32>
      %add3A_85 = arith.constant 1.000000e+00 : f32
      %add3A_86 = vector.broadcast %add3A_85 : f32 to vector<64x256xf32>
      %add3A_87 = arith.addf %add3A_86, %erf3A : vector<64x256xf32>
      %mul3A_88 = arith.mulf %mul3A_81, %add3A_87 : vector<64x256xf32>
      %get3A_89 = arith.constant 0 : index
      %get3A_90 = arith.constant 0 : index
      %get3A_91 = vector.load %arg26[%get3A_89, %get3A_90] : memref<256x256xf32, #tpu.memory_space<vmem>>, vector<256x256xf32>
      %dot_general3A_92 = arith.constant dense<0.000000e+00> : vector<64x256xf32>
      %dot_general3A_93 = tpu.matmul %mul3A_88, %get3A_91, %dot_general3A_92 {dimension_numbers = #tpu.dot_dimension_numbers<[1], [0], [0], [1], [0, 0, 1, 1], [], []>, transpose_lhs_hint = false} : vector<64x256xf32>, vector<256x256xf32>, vector<64x256xf32> -> vector<64x256xf32>
      %get3A_94 = arith.constant 0 : index
      %get3A_95 = arith.constant 0 : index
      %get3A_96 = vector.load %arg27[%get3A_94, %get3A_95] : memref<1x256xf32, #tpu.memory_space<vmem>>, vector<1x256xf32>
      %add3A_97 = vector.broadcast %get3A_96 : vector<1x256xf32> to vector<64x256xf32>
      %add3A_98 = arith.addf %dot_general3A_93, %add3A_97 : vector<64x256xf32>
      %mul3A_99 = arith.constant 5.000000e-01 : f32
      %mul3A_100 = vector.broadcast %mul3A_99 : f32 to vector<64x256xf32>
      %mul3A_101 = arith.mulf %mul3A_100, %add3A_98 : vector<64x256xf32>
      %mul3A_102 = arith.constant 0.707106769 : f32
      %mul3A_103 = vector.broadcast %mul3A_102 : f32 to vector<64x256xf32>
      %mul3A_104 = arith.mulf %add3A_98, %mul3A_103 : vector<64x256xf32>
      %erf3A_105 = math.erf %mul3A_104 : vector<64x256xf32>
      %add3A_106 = arith.constant 1.000000e+00 : f32
      %add3A_107 = vector.broadcast %add3A_106 : f32 to vector<64x256xf32>
      %add3A_108 = arith.addf %add3A_107, %erf3A_105 : vector<64x256xf32>
      %mul3A_109 = arith.mulf %mul3A_101, %add3A_108 : vector<64x256xf32>
      %get3A_110 = arith.constant 0 : index
      %get3A_111 = arith.constant 0 : index
      %get3A_112 = vector.load %arg28[%get3A_110, %get3A_111] : memref<256x512xf32, #tpu.memory_space<vmem>>, vector<256x512xf32>
      %dot_general3A_113 = arith.constant dense<0.000000e+00> : vector<64x512xf32>
      %dot_general3A_114 = tpu.matmul %mul3A_109, %get3A_112, %dot_general3A_113 {dimension_numbers = #tpu.dot_dimension_numbers<[1], [0], [0], [1], [0, 0, 1, 1], [], []>, transpose_lhs_hint = false} : vector<64x256xf32>, vector<256x512xf32>, vector<64x512xf32> -> vector<64x512xf32>
      %get3A_115 = arith.constant 0 : index
      %get3A_116 = arith.constant 0 : index
      %get3A_117 = vector.load %arg29[%get3A_115, %get3A_116] : memref<1x512xf32, #tpu.memory_space<vmem>>, vector<1x512xf32>
      %add3A_118 = vector.broadcast %get3A_117 : vector<1x512xf32> to vector<64x512xf32>
      %add3A_119 = arith.addf %dot_general3A_114, %add3A_118 : vector<64x512xf32>
      %get3A_120 = arith.constant 0 : index
      %get3A_121 = arith.constant 0 : index
      %get3A_122 = arith.constant 0 : index
      %get3A_123 = vector.load %arg30[%get3A_120, %get3A_121, %get3A_122] : memref<1x64x512xf32, #tpu.memory_space<vmem>>, vector<1x64x512xf32>
      %get3A_124 = vector.shape_cast %get3A_123 : vector<1x64x512xf32> to vector<64x512xf32>
      %mul3A_125 = vector.broadcast %add3A_43 : f32 to vector<64x512xf32>
      %mul3A_126 = arith.mulf %mul3A_125, %add3A_119 : vector<64x512xf32>
      %add3A_127 = arith.addf %get3A_124, %mul3A_126 : vector<64x512xf32>
      %swap3A_128 = arith.constant 0 : index
      %swap3A_129 = arith.constant 0 : index
      %swap3A_130 = arith.constant 0 : index
      %swap3A_131 = vector.load %arg30[%swap3A_128, %swap3A_129, %swap3A_130] : memref<1x64x512xf32, #tpu.memory_space<vmem>>, vector<1x64x512xf32>
      %swap3A_132 = vector.shape_cast %swap3A_131 : vector<1x64x512xf32> to vector<64x512xf32>
      %swap3A_133 = vector.shape_cast %add3A_127 : vector<64x512xf32> to vector<1x64x512xf32>
      tpu.vector_store %arg30[%swap3A_128, %swap3A_129, %swap3A_130], %swap3A_133 {strides = array<i32>} : memref<1x64x512xf32, #tpu.memory_space<vmem>>, vector<1x64x512xf32>,
    } else {
    }
    return
  }
  func.func @transform_0(%arg0: i32, %arg1: memref<256xi32, #tpu.memory_space<smem>>, %arg2: memref<256xi32, #tpu.memory_space<smem>>, %arg3: memref<256xf32, #tpu.memory_space<smem>>, %arg4: memref<256xf32, #tpu.memory_space<smem>>) -> (i32, i32, i32) {
    %c0_i32 = arith.constant 0 : i32
    %c0_i32_0 = arith.constant 0 : i32
    %c0_i32_1 = arith.constant 0 : i32
    return %arg0, %c0_i32, %c0_i32_0 : i32, i32, i32
  }
  func.func @transform_1(%arg0: i32, %arg1: memref<256xi32, #tpu.memory_space<smem>>, %arg2: memref<256xi32, #tpu.memory_space<smem>>, %arg3: memref<256xf32, #tpu.memory_space<smem>>, %arg4: memref<256xf32, #tpu.memory_space<smem>>) -> (i32, i32) {
    %c0_i32 = arith.constant 0 : i32
    %c0_i32_0 = arith.constant 0 : i32
    %c0_i32_1 = arith.constant 0 : i32
    return %c0_i32, %c0_i32_0 : i32, i32
  }
  func.func @transform_2(%arg0: i32, %arg1: memref<256xi32, #tpu.memory_space<smem>>, %arg2: memref<256xi32, #tpu.memory_space<smem>>, %arg3: memref<256xf32, #tpu.memory_space<smem>>, %arg4: memref<256xf32, #tpu.memory_space<smem>>) -> (i32, i32) {
    %c0_i32 = arith.constant 0 : i32
    %c0_i32_0 = arith.constant 0 : i32
    %c0_i32_1 = arith.constant 0 : i32
    return %c0_i32, %c0_i32_0 : i32, i32
  }
  func.func @transform_3(%arg0: i32, %arg1: memref<256xi32, #tpu.memory_space<smem>>, %arg2: memref<256xi32, #tpu.memory_space<smem>>, %arg3: memref<256xf32, #tpu.memory_space<smem>>, %arg4: memref<256xf32, #tpu.memory_space<smem>>) -> (i32, i32) {
    %c0_i32 = arith.constant 0 : i32
    %c0_i32_0 = arith.constant 0 : i32
    %c0_i32_1 = arith.constant 0 : i32
    return %c0_i32, %c0_i32_0 : i32, i32
  }
  func.func @transform_4(%arg0: i32, %arg1: memref<256xi32, #tpu.memory_space<smem>>, %arg2: memref<256xi32, #tpu.memory_space<smem>>, %arg3: memref<256xf32, #tpu.memory_space<smem>>, %arg4: memref<256xf32, #tpu.memory_space<smem>>) -> (i32, i32) {
    %c0_i32 = arith.constant 0 : i32
    %c0_i32_0 = arith.constant 0 : i32
    %c0_i32_1 = arith.constant 0 : i32
    return %c0_i32, %c0_i32_0 : i32, i32
  }
  func.func @transform_5(%arg0: i32, %arg1: memref<256xi32, #tpu.memory_space<smem>>, %arg2: memref<256xi32, #tpu.memory_space<smem>>, %arg3: memref<256xf32, #tpu.memory_space<smem>>, %arg4: memref<256xf32, #tpu.memory_space<smem>>) -> (i32, i32) {
    %c0_i32 = arith.constant 0 : i32
    %c0_i32_0 = arith.constant 0 : i32
    %c0_i32_1 = arith.constant 0 : i32
    return %c0_i32, %c0_i32_0 : i32, i32
  }
  func.func @transform_6(%arg0: i32, %arg1: memref<256xi32, #tpu.memory_space<smem>>, %arg2: memref<256xi32, #tpu.memory_space<smem>>, %arg3: memref<256xf32, #tpu.memory_space<smem>>, %arg4: memref<256xf32, #tpu.memory_space<smem>>) -> (i32, i32) {
    %c0_i32 = arith.constant 0 : i32
    %c0_i32_0 = arith.constant 0 : i32
    %c0_i32_1 = arith.constant 0 : i32
    return %c0_i32, %c0_i32_0 : i32, i32
  }
  func.func @transform_7(%arg0: i32, %arg1: memref<256xi32, #tpu.memory_space<smem>>, %arg2: memref<256xi32, #tpu.memory_space<smem>>, %arg3: memref<256xf32, #tpu.memory_space<smem>>, %arg4: memref<256xf32, #tpu.memory_space<smem>>) -> (i32, i32) {
    %c0_i32 = arith.constant 0 : i32
    %c0_i32_0 = arith.constant 0 : i32
    %c0_i32_1 = arith.constant 0 : i32
    return %c0_i32, %c0_i32_0 : i32, i32
  }
  func.func @transform_8(%arg0: i32, %arg1: memref<256xi32, #tpu.memory_space<smem>>, %arg2: memref<256xi32, #tpu.memory_space<smem>>, %arg3: memref<256xf32, #tpu.memory_space<smem>>, %arg4: memref<256xf32, #tpu.memory_space<smem>>) -> (i32, i32) {
    %c0_i32 = arith.constant 0 : i32
    %c0_i32_0 = arith.constant 0 : i32
    %c0_i32_1 = arith.constant 0 : i32
    return %c0_i32, %c0_i32_0 : i32, i32
  }
  func.func @transform_9(%arg0: i32, %arg1: memref<256xi32, #tpu.memory_space<smem>>, %arg2: memref<256xi32, #tpu.memory_space<smem>>, %arg3: memref<256xf32, #tpu.memory_space<smem>>, %arg4: memref<256xf32, #tpu.memory_space<smem>>) -> (i32, i32) {
    %c0_i32 = arith.constant 0 : i32
    %c0_i32_0 = arith.constant 0 : i32
    %c0_i32_1 = arith.constant 0 : i32
    return %c0_i32, %c0_i32_0 : i32, i32
  }
  func.func @transform_10(%arg0: i32, %arg1: memref<256xi32, #tpu.memory_space<smem>>, %arg2: memref<256xi32, #tpu.memory_space<smem>>, %arg3: memref<256xf32, #tpu.memory_space<smem>>, %arg4: memref<256xf32, #tpu.memory_space<smem>>) -> (i32, i32) {
    %c0_i32 = arith.constant 0 : i32
    %c0_i32_0 = arith.constant 0 : i32
    %c0_i32_1 = arith.constant 0 : i32
    return %c0_i32, %c0_i32_0 : i32, i32
  }
  func.func @transform_11(%arg0: i32, %arg1: memref<256xi32, #tpu.memory_space<smem>>, %arg2: memref<256xi32, #tpu.memory_space<smem>>, %arg3: memref<256xf32, #tpu.memory_space<smem>>, %arg4: memref<256xf32, #tpu.memory_space<smem>>) -> (i32, i32) {
    %c0_i32 = arith.constant 0 : i32
    %c0_i32_0 = arith.constant 0 : i32
    %c0_i32_1 = arith.constant 0 : i32
    return %c0_i32, %c0_i32_0 : i32, i32
  }
  func.func @transform_12(%arg0: i32, %arg1: memref<256xi32, #tpu.memory_space<smem>>, %arg2: memref<256xi32, #tpu.memory_space<smem>>, %arg3: memref<256xf32, #tpu.memory_space<smem>>, %arg4: memref<256xf32, #tpu.memory_space<smem>>) -> (i32, i32) {
    %c0_i32 = arith.constant 0 : i32
    %c0_i32_0 = arith.constant 0 : i32
    %c0_i32_1 = arith.constant 0 : i32
    return %c0_i32, %c0_i32_0 : i32, i32
  }
  func.func @transform_13(%arg0: i32, %arg1: memref<256xi32, #tpu.memory_space<smem>>, %arg2: memref<256xi32, #tpu.memory_space<smem>>, %arg3: memref<256xf32, #tpu.memory_space<smem>>, %arg4: memref<256xf32, #tpu.memory_space<smem>>) -> (i32, i32) {
    %c0_i32 = arith.constant 0 : i32
    %c0_i32_0 = arith.constant 0 : i32
    %c0_i32_1 = arith.constant 0 : i32
    return %c0_i32, %c0_i32_0 : i32, i32
  }
  func.func @transform_14(%arg0: i32, %arg1: memref<256xi32, #tpu.memory_space<smem>>, %arg2: memref<256xi32, #tpu.memory_space<smem>>, %arg3: memref<256xf32, #tpu.memory_space<smem>>, %arg4: memref<256xf32, #tpu.memory_space<smem>>) -> (i32, i32) {
    %c0_i32 = arith.constant 0 : i32
    %c0_i32_0 = arith.constant 0 : i32
    %c0_i32_1 = arith.constant 0 : i32
    return %c0_i32, %c0_i32_0 : i32, i32
  }
  func.func @transform_15(%arg0: i32, %arg1: memref<256xi32, #tpu.memory_space<smem>>, %arg2: memref<256xi32, #tpu.memory_space<smem>>, %arg3: memref<256xf32, #tpu.memory_space<smem>>, %arg4: memref<256xf32, #tpu.memory_space<smem>>) -> (i32, i32) {
    %c0_i32 = arith.constant 0 : i32
    %c0_i32_0 = arith.constant 0 : i32
    %c0_i32_1 = arith.constant 0 : i32
    return %c0_i32, %c0_i32_0 : i32, i32
  }
  func.func @transform_16(%arg0: i32, %arg1: memref<256xi32, #tpu.memory_space<smem>>, %arg2: memref<256xi32, #tpu.memory_space<smem>>, %arg3: memref<256xf32, #tpu.memory_space<smem>>, %arg4: memref<256xf32, #tpu.memory_space<smem>>) -> (i32, i32) {
    %c0_i32 = arith.constant 0 : i32
    %c0_i32_0 = arith.constant 0 : i32
    %c0_i32_1 = arith.constant 0 : i32
    return %c0_i32, %c0_i32_0 : i32, i32
  }
  func.func @transform_17(%arg0: i32, %arg1: memref<256xi32, #tpu.memory_space<smem>>, %arg2: memref<256xi32, #tpu.memory_space<smem>>, %arg3: memref<256xf32, #tpu.memory_space<smem>>, %arg4: memref<256xf32, #tpu.memory_space<smem>>) -> (i32, i32) {
    %c0_i32 = arith.constant 0 : i32
    %c0_i32_0 = arith.constant 0 : i32
    %c0_i32_1 = arith.constant 0 : i32
    return %c0_i32, %c0_i32_0 : i32, i32
  }
  func.func @transform_18(%arg0: i32, %arg1: memref<256xi32, #tpu.memory_space<smem>>, %arg2: memref<256xi32, #tpu.memory_space<smem>>, %arg3: memref<256xf32, #tpu.memory_space<smem>>, %arg4: memref<256xf32, #tpu.memory_space<smem>>) -> (i32, i32) {
    %c0_i32 = arith.constant 0 : i32
    %c0_i32_0 = arith.constant 0 : i32
    %c0_i32_1 = arith.constant 0 : i32
    return %c0_i32, %c0_i32_0 : i32, i32
  }
  func.func @transform_19(%arg0: i32, %arg1: memref<256xi32, #tpu.memory_space<smem>>, %arg2: memref<256xi32, #tpu.memory_space<smem>>, %arg3: memref<256xf32, #tpu.memory_space<smem>>, %arg4: memref<256xf32, #tpu.memory_space<smem>>) -> (i32, i32) {
    %c0_i32 = arith.constant 0 : i32
    %c0_i32_0 = arith.constant 0 : i32
    %c0_i32_1 = arith.constant 0 : i32
    return %c0_i32, %c0_i32_0 : i32, i32
  }
  func.func @transform_20(%arg0: i32, %arg1: memref<256xi32, #tpu.memory_space<smem>>, %arg2: memref<256xi32, #tpu.memory_space<smem>>, %arg3: memref<256xf32, #tpu.memory_space<smem>>, %arg4: memref<256xf32, #tpu.memory_space<smem>>) -> (i32, i32) {
    %c0_i32 = arith.constant 0 : i32
    %c0_i32_0 = arith.constant 0 : i32
    %c0_i32_1 = arith.constant 0 : i32
    return %c0_i32, %c0_i32_0 : i32, i32
  }
  func.func @transform_21(%arg0: i32, %arg1: memref<256xi32, #tpu.memory_space<smem>>, %arg2: memref<256xi32, #tpu.memory_space<smem>>, %arg3: memref<256xf32, #tpu.memory_space<smem>>, %arg4: memref<256xf32, #tpu.memory_space<smem>>) -> (i32, i32) {
    %c0_i32 = arith.constant 0 : i32
    %c0_i32_0 = arith.constant 0 : i32
    %c0_i32_1 = arith.constant 0 : i32
    return %c0_i32, %c0_i32_0 : i32, i32
  }
  func.func @transform_22(%arg0: i32, %arg1: memref<256xi32, #tpu.memory_space<smem>>, %arg2: memref<256xi32, #tpu.memory_space<smem>>, %arg3: memref<256xf32, #tpu.memory_space<smem>>, %arg4: memref<256xf32, #tpu.memory_space<smem>>) -> (i32, i32) {
    %c0_i32 = arith.constant 0 : i32
    %c0_i32_0 = arith.constant 0 : i32
    %c0_i32_1 = arith.constant 0 : i32
    return %c0_i32, %c0_i32_0 : i32, i32
  }
  func.func @transform_23(%arg0: i32, %arg1: memref<256xi32, #tpu.memory_space<smem>>, %arg2: memref<256xi32, #tpu.memory_space<smem>>, %arg3: memref<256xf32, #tpu.memory_space<smem>>, %arg4: memref<256xf32, #tpu.memory_space<smem>>) -> (i32, i32) {
    %c0_i32 = arith.constant 0 : i32
    %c0_i32_0 = arith.constant 0 : i32
    %c0_i32_1 = arith.constant 0 : i32
    return %c0_i32, %c0_i32_0 : i32, i32
  }
  func.func @transform_24(%arg0: i32, %arg1: memref<256xi32, #tpu.memory_space<smem>>, %arg2: memref<256xi32, #tpu.memory_space<smem>>, %arg3: memref<256xf32, #tpu.memory_space<smem>>, %arg4: memref<256xf32, #tpu.memory_space<smem>>) -> (i32, i32) {
    %c0_i32 = arith.constant 0 : i32
    %c0_i32_0 = arith.constant 0 : i32
    %c0_i32_1 = arith.constant 0 : i32
    return %c0_i32, %c0_i32_0 : i32, i32
  }
  func.func @transform_25(%arg0: i32, %arg1: memref<256xi32, #tpu.memory_space<smem>>, %arg2: memref<256xi32, #tpu.memory_space<smem>>, %arg3: memref<256xf32, #tpu.memory_space<smem>>, %arg4: memref<256xf32, #tpu.memory_space<smem>>) -> (i32, i32, i32) {
    %c0_i32 = arith.constant 0 : i32
    %c0_i32_0 = arith.constant 0 : i32
    %c0_i32_1 = arith.constant 0 : i32
    return %arg0, %c0_i32, %c0_i32_0 : i32, i32, i32
  }
}

</mosaic_0001>

<sc_bundles>
// kernel: sparse-core-data-format-call.1.cloned.1.call-start
scs
called_computation.1_lowered:
.L_overlay_start_0:
0x0: {  	s2 =	sld [smem:$0x3FD9]  }
0x1: {  	s3 =	sld [smem:$0x3FFE];
	_ =	sdelay $0x1  }
0x2: {  	s1 =	srdreg.scid  }
0x3: {  	s0 =	sand.u32 $0x1, s1  }
0x4: {  	s16 =	sshll.u32 s0, $0xA;
	s2 =	sadd.s32 s3, s2  }
0x5: {  	s2 =	sadd.s32 s2, s16  }
0x6: {  	[smem:$0x3FAE] =	sst s2  }
0x7: {  	_ = 	snop  }
0x8: {  	s2 =	sld [smem:$0x3FD0];
	_ =	sdelay $0x2  }
0x9: {  	s4 =	simm.s32 $0xA;
	s5 =	simm.s32 $0x10;
	s17 =	sld [smem:$0x3FC9]  }
0xa: {  	[smem:s5], [sflag:s4] =	dma.local [hbm:s2], $0x1  }
0xb: {  	_ =	swait.eq [sflag:s4], $0x1  }
0xc: {  	[sflag:s4] =	ssyncset.done $0x0  }
0xd: {  	[sflag:s4] =	ssyncadd.s32 $0xFFFFFFFF  }
0xe: {  	s18 =	sld [smem:$0x10];
	(tm) =	ssettm $0x1  }
0xf: {  	s19 =	sld [smem:$0x3FFB];
	_ =	sdelay $0x3  }
0x10: {  	_ =	strace s19  }
0x11: {  	s4 =	sld [smem:$0x3FFC];
	_ =	sdelay $0x3  }
0x12: {  	_ =	strace s4  }
0x13: {  	s4 =	sld [smem:$0x3FFD];
	_ =	sdelay $0x3  }
0x14: {  	_ =	strace s4  }
0x15: {  	_ =	strace $0x8FFFFFFF  }
0x16: {  	s20 =	sld [smem:$0x3FDB];
	_ =	sdelay $0x1  }
0x17: {  	s21 =	simm.s32 $_scs_section_size  }
0x18: {  	s6 =	simm.s32 $_size__tile_overlayer_lowered;
	s7 =	simm.s32 $_tile_overlayer_lowered  }
0x19: {  	s24 =	simm.s32 $0x1BFF;
	s23 =	sshll.u32 s7, $0x1;
	s4 =	sadd.s32 s21, s20  }
0x1a: {  	s8 =	simm.s32 $0x0;
	s22 =	sshll.u32 s6, $0x1;
	s6 =	sadd.s32 s23, s4  }
0x1b: {  	[timem:s8], [sflag:s24] =	dma.local [hbm:s6], s22  }
0x1c: {  	_ =	swait.ge [sflag:s24], s22  }
0x1d: {  	s5 =	ssub.s32 $0x0, s22;
	[sflag:s24] =	ssyncset.done $0x0  }
0x1e: {  	[sflag:s24] =	ssyncadd.s32 s5;
	_ =	sdelay $0x1  }
0x1f: {  	s25 =	simm.s32 $0x1B8B  }
0x20: {  	_ =	swait.ge [sflag:s25], $0x1  }
0x21: {  	[sflag:s25] =	ssyncset.done $0x0  }
0x22: {  	s26 =	simm.s32 $0x1B8E;
	[sflag:s25] =	ssyncadd.s32 $0xFFFFFFFF  }
0x23: {  	s27 =	simm.s32 $execute0_lowered;
	[smem:$0x3FD2] =	sst s26  }
0x24: {  	s5 =	sshll.u32 s27, $0x1;
	_ =	strace $0x80000046;
	[dreg:$0x1] =	wrdreg $0xFFFFFFFF  }
0x25: {  	s28 =	simm.s32 $_size_execute0_lowered;
	s4 =	sadd.s32 s4, s5;
	[dreg:$0x0] =	wrdreg $0x0  }
0x26: {  	s5 =	sshll.u32 s28, $0x1;
	[dreg:$0x2] =	wrdreg s4  }
0x27: {  	[dreg:$0x3] =	wrdreg s5  }
0x28: {  	[dreg:$0x4] =	wrdreg $0xC0  }
0x29: {  	_ =	task [dreg:s8], $0x5FFFF  }
0x2a: {  	[dreg:$0x1] =	wrdreg $0xFFFFFFFF  }
0x2b: {  	[dreg:$0x0] =	wrdreg $0x60  }
0x2c: {  	[dreg:$0x2] =	wrdreg s17  }
0x2d: {  	[dreg:$0x3] =	wrdreg s18  }
0x2e: {  	[dreg:$0x4] =	wrdreg $0x9  }
0x2f: {  	_ =	task.clear_ibuf [dreg:s8], $0x5FFFF;
	_ =	strace $0x90000046  }
0x30: {  	s29 =	simm.s32 $0x9;
	_ =	strace $0x80000048  }
0x31: {  	_ =	swait.ge [sflag:s29], $0x1  }
0x32: {  	[sflag:s29] =	ssyncadd.s32 $0xFFFFFFFF  }
0x33: {  	_ =	strace $0x90000048  }
0x34: {  	_ =	sfence  }
0x35: {  	s30 =	sld [smem:$0x0];
	_ =	sdelay $0x2  }
0x36: {  	s31 =	sshll.u32 s1, $0xD;
	s1 =	sshrl.u32 s1, $0x2  }
0x37: {  	s3 =	sand.u32 $0x4000, s31;
	s1 =	sadd.s32 s1, s30  }
0x38: {  	s0 =	sor.u32 s3, s0;
	s1 =	sshll.u32 s1, $0x11  }
0x39: {  	s0 =	sor.u32 s1, s0  }
0x3a: {  	s0 =	sadd.s32 $0x8F2B, s0  }
0x3b: {  	[sflag:s0] =	ssyncadd.remote.s32 $0x1  }
0x3c: {  	_ =	sfence.sel $0xFFFF  }
0x3d: {  	[dreg:$0x0] =	wrdreg $0xFFFFFFFF;
	(pc) =	sbr.abs _section_cstart, $3  }
0x3e: {  	[dreg:$0x1] =	wrdreg $0xFFFFFFFF  }
0x3f: {  	_ =	task.clear_ibuf [dreg:s8], $0x2FFFF;
	_ =	strace $0x9FFFFFFF  }
0x40: {  	(tm) =	ssettm $0x7FFFFFFF  }
0x41: {  	_ =	shalt  }
tec
execute0_lowered:
.L_overlay_start_1:
0x0: {  	(tag) =	ssettag $0x1  }
0x1: {  	s2 =	rddreg [dreg:$0x0]  }
0x2: {  	s3 =	rddreg [dreg:$0x1]  }
0x3: {  	s0 =	rddreg [dreg:$0x2];
	_ =	strace $0x80000047  }
0x4: {  	s4 =	srdreg.scid;
	s1 =	stileid.u32;
	s6 =	simm.s32 $0x2  }
0x5: {  	s12 =	simm.s32 $0x0;
	p0 =	por $0x0, $0x0;
	s13 =	simm.s32 $0x0  }
.Ltmp0:
0x6: {  	s15 =	simm.s32 $0x0;
	s14 =	simm.s32 $0x0;
	(pc) =	sbr.rel .LBB1_1-.Ltmp0, $4  }
0x7: {  	s8 =	simm.s32 $0x0;
	s9 =	simm.s32 $0x0;
	s5 =	sshll.u32 s4, $0x4  }
0x8: {  	s10 =	simm.s32 $0x0;
	s4 =	simm.s32 $0x1;
	s5 =	sand.u32 $0x10, s5  }
0x9: {  	s7 =	simm.s32 $0x0;
	[sflag:s4] =	ssyncpa.u1 $0x0;
	s5 =	sor.u32 s1, s5  }
0xa: {  	[sflag:s6] =	ssyncpa.u1 $0x0;
	s6 =	simm.s32 $0x8000;
	s11 =	smov.u32 s5  }
.LBB1_7:
0xb: {  	s16 =	sadd.s32 $0x100, s8  }
0xc: {  	s12 =	sadd.s32 $0x8, s9;
	s17 =	smov.u32 s9;
	p2 =	sgt.s32 s16, $0x1FF  }
0xd: {  	s17 =	smov.u32 @p2 s12  }
0xe: {  	s18 =	smov.u32 s10;
	s12 =	sadd.s32 $0x8, s10;
	p3 =	sgt.s32 s17, $0x7  }
0xf: {  	s18 =	smov.u32 @p3 s12  }
0x10: {  	s19 =	smov.u32 s11;
	s12 =	sadd.s32 $0x20, s11;
	p4 =	sgt.s32 s18, $0x3F  }
0x11: {  	p1 =	slt.u32 s7, $0x2;
	s19 =	smov.u32 @p4 s12  }
0x12: {  	s7 =	sadd.s32 $0x1, s7;
	s16 =	simm.s32 @p2 $0x0;
	p2 =	sgt.s32 s19, $0x1F  }
0x13: {  	s20 =	simm.s32 @!p1 $0x2;
	s19 =	smov.u32 @p2 s5;
	p2 =	sne.s32 s7, $0x12  }
.Ltmp1:
0x14: {  	s13 =	smov.u32 s9;
	_ =	swait.ge @!p1 [sflag:s20], $0x4000;
	(pc) =	sbr.rel @!p2 .LBB1_8-.Ltmp1, $4  }
0x15: {  	s15 =	smov.u32 s10;
	s14 =	smov.u32 s11;
	[sflag:s20] =	ssyncset.done @!p1 $0x0  }
0x16: {  	p0 =	por !p0, !p0;
	s17 =	simm.s32 @p3 $0x0;
	[sflag:s20] =	ssyncadd.s32 @!p1 $0xFFFFC000  }
0x17: {  	s9 =	smov.u32 s17;
	s18 =	simm.s32 @p4 $0x0;
	s12 =	smov.u32 s8  }
0x18: {  	s8 =	smov.u32 s16;
	s10 =	smov.u32 s18;
	s11 =	smov.u32 s19  }
.LBB1_1:
0x19: {  	p1 =	sgt.u32 s7, $0xF  }
0x1a: {  	s16 =	sxor.u32 @!p1 $0xFFFFFFFF, s7;
	s17 =	sshll.u32 @!p1 s8, $0x3  }
0x1b: {  	s18 =	sshll.u32 @!p1 s9, $0x7;
	s19 =	sand.u32 @!p1 $0x78, s8;
	s20 =	sshll.u32 @!p1 s11, $0xF  }
0x1c: {  	s21 =	sshll.u32 @!p1 s10, $0x9;
	s16 =	sshll.u32 @!p1 s16, $0xE;
	s18 =	sand.u32 @!p1 $0x380, s18  }
0x1d: {  	s17 =	sand.u32 @!p1 $0xC00, s17;
	s16 =	sand.u32 @!p1 $0x4000, s16;
	s18 =	sor.u32 @!p1 s19, s18  }
0x1e: {  	s19 =	sand.u32 @!p1 $0x7, s8;
	s17 =	sor.u32 @!p1 s17, s18;
	s18 =	sadd.s32 @!p1 s2, s20  }
0x1f: {  	s19 =	sshll.u32 @!p1 s19, $0x12;
	s17 =	sshrl.u32 @!p1 s17, $0x3;
	s18 =	sadd.s32 @!p1 s21, s18  }
0x20: {  	s17 =	sadd.s32 @!p1 s17, s18;
	s18 =	sor.u32 @!p1 $0x800, s19;
	s19 =	simm.s32 @!p1 $0x1000  }
0x21: {  	[tilespmem:s16], [sflag:$0x1] =	stream.strided.gather @!p1 [hbm4b:s17+s18], $0x4000, s19, s18, $0x38;
	[tilespmem:$0x10000] =	vst v63  }
0x22: {  	p1 =	seq.s32 s7, $0x0  }
0x23: {  	p2 =	seq.s32 @!p1 s7, $0x11  }
0x24: {  	p1 =	por p1, p2  }
.Ltmp2:
0x25: {  	_ = 	snop;
	(pc) =	sbr.rel @p1 .LBB1_7-.Ltmp2, $1  }
0x26: {  	_ =	sdelay $0x3  }
0x27: {  	s16 =	simm.s32 $0x1;
	_ =	swait.ge [sflag:s4], $0x4000  }
0x28: {  	s31 =	sshll.u32 s7, $0xE;
	s21 =	simm.s32 $0x0;
	p1 =	por $0x0, $0x0  }
0x29: {  	s22 =	simm.s32 $0x0;
	s23 =	simm.s32 $0x0;
	s16 =	simm.s32 @!p0 $0x0  }
0x2a: {  	[sflag:s4] =	ssyncset.done $0x0;
	s19 =	sand.u32 $0x4000, s31;
	s16 =	sshll.u32 s16, $0x10  }
0x2b: {  	[sflag:s4] =	ssyncadd.s32 $0xFFFFC000;
	s20 =	sshrl.u32 s16, $0x2;
	s16 =	sor.u32 $0x8000, s19  }
0x2c: {  	s17 =	sor.u32 $0x40, s20;
	s18 =	sor.u32 $0x8410, s20;
	s20 =	sadd.s32 $0x8400, s20  }
.LBB1_3:
0x2d: {  	v1 =	vld [tilespmem:s17+$0xFFFFFFD0]  }
0x2e: {  	v2 =	vld [tilespmem:s17+$0x430]  }
0x2f: {  	s24 =	sshll.u32 s23, $0xB;
	v4 =	vld [tilespmem:s17+$0xFFFFFFE0]  }
0x30: {  	v7 =	vld [tilespmem:s17+$0xFFFFFFF0];
	v0 =	vmov s24  }
0x31: {  	v8 =	vld [tilespmem:s17+$0x0]  }
0x32: {  	s30 =	sand.u32 $0x300, s21;
	v9 =	vld [tilespmem:s17+$0x10]  }
0x33: {  	s25 =	sand.u32 $0x80, s21;
	v10 =	vld [tilespmem:s17+$0x20];
	s24 =	sadd.s32 s30, s19  }
0x34: {  	v11 =	vld [tilespmem:s17+$0x30];
	s24 =	sadd.s32 s25, s24;
	s25 =	simm.s32 $0x1;
	[tilespmem:s18+$0x60] =	vst v2  }
0x35: {  	s31 =	sshll.u32 s22, $0x2;
	s25 =	simm.s32 @!p1 $0x0;
	[tilespmem:s18+$0xFFFFFC00] =	vst v1;
	v3 =	vld.idx.msk [tilespmem:v0+s24+$0x400 ss:$0x1], $0xffff  }
0x36: {  	v6 =	vld [tilespmem:s17+$0x3D0];
	s25 =	sshll.u32 s25, $0x9;
	[tilespmem:s18+$0xFFFFFC10] =	vst v4;
	s24 =	sand.u32 $0xFFFFFC00, s31  }
0x37: {  	v5 =	vld [tilespmem:s17+$0x3E0];
	[tilespmem:s18+$0xFFFFFC20] =	vst v7;
	s24 =	sor.u32 s25, s24  }
0x38: {  	[tilespmem:s18+$0xFFFFFC30] =	vst v8;
	v4 =	vld [tilespmem:s17+$0x400];
	s24 =	sshrl.u32 s24, $0x2  }
0x39: {  	[tilespmem:s18+$0xFFFFFC40] =	vst v9;
	v1 =	vld [tilespmem:s17+$0x410];
	s24 =	sadd.s32 s24, s20  }
0x3a: {  	[tilespmem:s24+$0x0] =	vst v3;
	v3 =	vld [tilespmem:s17+$0x3F0]  }
0x3b: {  	s28 =	simm.s32 $0x80;
	s27 =	simm.s32 $0x100;
	[tilespmem:s18+$0xFFFFFC50] =	vst v10;
	v2 =	vld [tilespmem:s17+$0x420]  }
0x3c: {  	s26 =	smov.u32 s18;
	s29 =	sand.u32 $0x300, s28;
	v7 =	vld [tilespmem:s17+$0xFFFFFFC0];
	[tilespmem:s18+$0xFFFFFC60] =	vst v11;
	s25 =	sadd.s32 $0x80, s17  }
.LBB1_4:
0x3d: {  	p2 =	sne.s32 s27, $0x380;
	v8 =	vld [tilespmem:s25+$0xFFFFFFD0];
	s28 =	sand.u32 $0x80, s28;
	s29 =	sadd.s32 s29, s19;
	[tilespmem:s26+$0x0] =	vst v6  }
0x3e: {  	s29 =	sadd.s32 s28, s29;
	v6 =	vld [tilespmem:s25+$0x430];
	[tilespmem:s26+$0x10] =	vst v5;
	s28 =	smov.u32 s27  }
0x3f: {  	v5 =	vld.idx.msk [tilespmem:v0+s29+$0x400 ss:$0x1], $0xffff;
	[tilespmem:s26+$0x20] =	vst v3  }
0x40: {  	v3 =	vld [tilespmem:s25+$0xFFFFFFE0];
	[tilespmem:s26+$0x30] =	vst v4  }
0x41: {  	v4 =	vld [tilespmem:s25+$0xFFFFFFF0];
	[tilespmem:s26+$0xFFFFFBF0] =	vst v7  }
0x42: {  	v7 =	vld [tilespmem:s25+$0x0];
	[tilespmem:s26+$0x40] =	vst v1  }
0x43: {  	v1 =	vld [tilespmem:s25+$0x10];
	[tilespmem:s26+$0x50] =	vst v2;
	s26 =	sadd.s32 $0x800, s26  }
0x44: {  	s24 =	sadd.s32 $0x800, s24;
	v2 =	vld [tilespmem:s25+$0x20];
	[tilespmem:s26+$0x60] =	vst v6  }
0x45: {  	v9 =	vld [tilespmem:s25+$0x30];
	[tilespmem:s24+$0x0] =	vst v5  }
0x46: {  	[tilespmem:s26+$0xFFFFFC00] =	vst v8;
	v6 =	vld [tilespmem:s25+$0x3D0]  }
0x47: {  	[tilespmem:s26+$0xFFFFFC10] =	vst v3;
	v5 =	vld [tilespmem:s25+$0x3E0]  }
.Ltmp3:
0x48: {  	[tilespmem:s26+$0xFFFFFC20] =	vst v4;
	v3 =	vld [tilespmem:s25+$0x3F0];
	(pc) =	sbr.rel @p2 .LBB1_4-.Ltmp3, $4  }
0x49: {  	[tilespmem:s26+$0xFFFFFC30] =	vst v7;
	v4 =	vld [tilespmem:s25+$0x400]  }
0x4a: {  	[tilespmem:s26+$0xFFFFFC40] =	vst v1;
	v1 =	vld [tilespmem:s25+$0x410]  }
0x4b: {  	[tilespmem:s26+$0xFFFFFC50] =	vst v2;
	v2 =	vld [tilespmem:s25+$0x420]  }
0x4c: {  	s27 =	sadd.s32 $0x80, s27;
	s29 =	sand.u32 $0x300, s28;
	v7 =	vld [tilespmem:s25+$0xFFFFFFC0];
	[tilespmem:s26+$0xFFFFFC60] =	vst v9;
	s25 =	sadd.s32 $0x80, s25  }
0x4d: {  	[tilespmem:s26+$0x0] =	vst v6  }
0x4e: {  	[tilespmem:s26+$0x10] =	vst v5  }
0x4f: {  	v49 =	vld [tilespmem:s25+$0x430];
	[tilespmem:s26+$0x20] =	vst v3  }
0x50: {  	v50 =	vld [tilespmem:s25+$0xFFFFFFD0];
	[tilespmem:s26+$0x30] =	vst v4  }
0x51: {  	v51 =	vld [tilespmem:s25+$0xFFFFFFE0];
	[tilespmem:s26+$0x40] =	vst v1  }
0x52: {  	v52 =	vld [tilespmem:s25+$0xFFFFFFF0];
	[tilespmem:s26+$0x50] =	vst v2  }
0x53: {  	s31 =	sadd.s32 $0x800, s26;
	v53 =	vld [tilespmem:s25+$0x0];
	[tilespmem:s26+$0xFFFFFBF0] =	vst v7  }
0x54: {  	v54 =	vld [tilespmem:s25+$0x10];
	[tilespmem:s31+$0x60] =	vst v49  }
0x55: {  	v55 =	vld [tilespmem:s25+$0x20];
	[tilespmem:s31+$0xFFFFFC00] =	vst v50  }
0x56: {  	v56 =	vld [tilespmem:s25+$0x30];
	[tilespmem:s31+$0xFFFFFC10] =	vst v51  }
0x57: {  	v57 =	vld [tilespmem:s25+$0x3D0];
	[tilespmem:s31+$0xFFFFFC20] =	vst v52  }
0x58: {  	v58 =	vld [tilespmem:s25+$0x3E0];
	[tilespmem:s31+$0xFFFFFC30] =	vst v53  }
0x59: {  	v59 =	vld [tilespmem:s25+$0x3F0];
	[tilespmem:s31+$0xFFFFFC40] =	vst v54  }
0x5a: {  	v60 =	vld [tilespmem:s25+$0x400];
	[tilespmem:s31+$0xFFFFFC50] =	vst v55  }
0x5b: {  	v61 =	vld [tilespmem:s25+$0xFFFFFFC0];
	[tilespmem:s31+$0xFFFFFC60] =	vst v56  }
0x5c: {  	s27 =	sand.u32 $0x80, s28;
	s30 =	sadd.s32 s29, s19;
	v62 =	vld [tilespmem:s25+$0x410];
	[tilespmem:s31+$0x0] =	vst v57  }
0x5d: {  	v63 =	vld [tilespmem:s25+$0x420];
	s23 =	sadd.s32 $0x1, s23;
	s27 =	sadd.s32 s27, s30;
	[tilespmem:s31+$0x10] =	vst v58  }
0x5e: {  	p2 =	sne.s32 s23, $0x8;
	v0 =	vld.idx.msk [tilespmem:v0+s27+$0x400 ss:$0x1], $0xffff;
	[tilespmem:s31+$0x20] =	vst v59  }
.Ltmp4:
0x5f: {  	[tilespmem:s31+$0x30] =	vst v60;
	(pc) =	sbr.rel @p2 .LBB1_3-.Ltmp4, $4  }
0x60: {  	[tilespmem:s31+$0xFFFFFBF0] =	vst v61  }
0x61: {  	[tilespmem:s31+$0x40] =	vst v62  }
0x62: {  	s24 =	sadd.s32 $0x800, s24;
	s17 =	sadd.s32 $0x800, s17;
	[tilespmem:s31+$0x50] =	vst v63  }
0x63: {  	s22 =	sadd.s32 $0x80, s22;
	p1 =	por !p1, !p1;
	s18 =	sadd.s32 $0x80, s18;
	[tilespmem:s24+$0x0] =	vst v0  }
0x64: {  	s17 =	sand.u32 $0x78, s12  }
0x65: {  	s18 =	sshll.u32 s15, $0x9;
	s19 =	sshll.u32 s12, $0x3;
	s27 =	sshll.u32 s15, $0x7  }
0x66: {  	s14 =	sshll.u32 s14, $0xF;
	s13 =	sshll.u32 s13, $0xC;
	s30 =	sand.u32 $0x7, s12  }
0x67: {  	s18 =	sand.u32 $0x7000, s18;
	s19 =	sand.u32 $0x7C00, s19;
	s28 =	sand.u32 $0x200, s27  }
0x68: {  	s15 =	sand.u32 $0x180, s27;
	s14 =	sadd.s32 s3, s14;
	s18 =	sadd.s32 s18, s19  }
.Ltmp5:
0x69: {  	s15 =	sor.u32 s15, s17;
	s18 =	sor.u32 s28, s18;
	(pc) =	sbr.rel .LBB1_7-.Ltmp5, $4  }
0x6a: {  	s13 =	sadd.s32 s13, s14;
	s15 =	sshrl.u32 s15, $0x3;
	s29 =	sshrl.u32 s18, $0x3  }
0x6b: {  	s12 =	sshll.u32 s30, $0x12;
	s13 =	sadd.s32 s15, s13;
	s31 =	sand.u32 $0xFC0, s29  }
0x6c: {  	s12 =	sor.u32 $0x800, s12;
	s13 =	sadd.s32 s31, s13  }
0x6d: {  	[hbm4b:s13+s12] =	stream.strided.scatter [tilespmem:s16], [sflag:$0x2], $0x4000, s6, s12, $0x38;
	[tilespmem:$0x10000] =	vst v63  }
.LBB1_8:
0x6e: {  	_ =	sfence.sel $0x180000  }
0x6f: {  	s2 =	simm.s32 $0x1;
	[bflag:$0x0] =	sbarrier.arrive $0xFFFF  }
0x70: {  	s31 =	simm.s32 $0x2;
	[sflag:s2] =	ssyncpa.u1 $0x1  }
0x71: {  	[sflag:s31] =	ssyncpa.u1 $0x1  }
0x72: {  	p0 =	sne.s32 s1, $0x0;
	_ =	strace $0x90000047  }
0x73: {  	s0 =	sadd.s32 @!p0 $0x100000, s0;
	[bflag:$0x2] =	sbarrier.arrive $0xFFFF  }
0x74: {  	[sflag:s0] =	ssyncadd.tile.s32 @!p0 $0x1;
	_ =	shalt  }
.Lfunc_end1:
_tile_overlayer_lowered:
.L_overlay_start_2:
0x75: {  	(tag) =	ssettag $0x2  }
0x76: {  	s0 =	rddreg [dreg:$0x0];
	s2 =	stileid.u32  }
0x77: {  	s1 =	rddreg [dreg:$0x1];
	p0 =	sne.s32 s2, $0x0  }
0x78: {  	s3 =	rddreg [dreg:$0x2];
	[bflag:$0x3] =	sbarrier.arrive $0xFFFF;
	s2 =	simm.s32 @!p0 $0x1C01  }
0x79: {  	[timem:s3], [sflag:s2] =	dma.local @!p0 [hbm:s0], s1  }
0x7a: {  	s0 =	simm.s32 @!p0 $0x1  }
0x7b: {  	_ =	swait.ge @!p0 [sflag:s0], s1  }
0x7c: {  	s1 =	ssub.s32 @!p0 $0x0, s1;
	[sflag:s0] =	ssyncset.done @!p0 $0x0  }
0x7d: {  	[sflag:s0] =	ssyncadd.s32 @!p0 s1  }
0x7e: {  	[bflag:$0x3] =	sbarrier.arrive $0xFFFF  }
0x7f: {  	_ =	shalt  }

// kernel: sparse-core-data-format-call.cloned.1.call-start
scs
called_computation_lowered:
.L_overlay_start_0:
0x0: {  	s2 =	sld [smem:$0x3FD9]  }
0x1: {  	s3 =	sld [smem:$0x3FFE];
	_ =	sdelay $0x1  }
0x2: {  	s1 =	srdreg.scid  }
0x3: {  	s0 =	sand.u32 $0x1, s1  }
0x4: {  	s15 =	sshll.u32 s0, $0xA;
	s2 =	sadd.s32 s3, s2  }
0x5: {  	s2 =	sadd.s32 s2, s15  }
0x6: {  	[smem:$0x3FAE] =	sst s2  }
0x7: {  	_ = 	snop  }
0x8: {  	s2 =	sld [smem:$0x3FD0];
	_ =	sdelay $0x2  }
0x9: {  	s16 =	simm.s32 $0xA;
	s4 =	simm.s32 $0x10  }
0xa: {  	[smem:s4], [sflag:s16] =	dma.local [hbm:s2], $0x1  }
0xb: {  	_ =	swait.eq [sflag:s16], $0x1  }
0xc: {  	[sflag:s16] =	ssyncset.done $0x0  }
0xd: {  	[sflag:s16] =	ssyncadd.s32 $0xFFFFFFFF  }
0xe: {  	s17 =	sld [smem:$0x10];
	(tm) =	ssettm $0x1  }
0xf: {  	s18 =	sld [smem:$0x3FFB];
	_ =	sdelay $0x3  }
0x10: {  	_ =	strace s18  }
0x11: {  	s3 =	sld [smem:$0x3FFC];
	_ =	sdelay $0x3  }
0x12: {  	_ =	strace s3  }
0x13: {  	s3 =	sld [smem:$0x3FFD];
	_ =	sdelay $0x3  }
0x14: {  	_ =	strace s3  }
0x15: {  	_ =	strace $0x8FFFFFFF  }
0x16: {  	s19 =	sld [smem:$0x3FDB];
	_ =	sdelay $0x1  }
0x17: {  	s20 =	simm.s32 $_scs_section_size  }
0x18: {  	s5 =	simm.s32 $_size__tile_overlayer_lowered;
	s6 =	simm.s32 $_tile_overlayer_lowered  }
0x19: {  	s23 =	simm.s32 $0x1BFF;
	s22 =	sshll.u32 s6, $0x1;
	s3 =	sadd.s32 s20, s19  }
0x1a: {  	s7 =	simm.s32 $0x0;
	s21 =	sshll.u32 s5, $0x1;
	s5 =	sadd.s32 s22, s3  }
0x1b: {  	[timem:s7], [sflag:s23] =	dma.local [hbm:s5], s21  }
0x1c: {  	_ =	swait.ge [sflag:s23], s21  }
0x1d: {  	s4 =	ssub.s32 $0x0, s21;
	[sflag:s23] =	ssyncset.done $0x0  }
0x1e: {  	[sflag:s23] =	ssyncadd.s32 s4;
	_ =	sdelay $0x1  }
0x1f: {  	s24 =	simm.s32 $0x1B8B  }
0x20: {  	_ =	swait.ge [sflag:s24], $0x1  }
0x21: {  	[sflag:s24] =	ssyncset.done $0x0  }
0x22: {  	s26 =	simm.s32 $0x1B8E;
	s25 =	sld [smem:$0x3FFE];
	[sflag:s24] =	ssyncadd.s32 $0xFFFFFFFF  }
0x23: {  	s27 =	simm.s32 $execute0_lowered;
	[smem:$0x3FD2] =	sst s26  }
0x24: {  	s5 =	sshll.u32 s27, $0x1;
	_ =	strace $0x80000049;
	[dreg:$0x1] =	wrdreg $0xFFFFFFFF  }
0x25: {  	s28 =	simm.s32 $_size_execute0_lowered;
	s3 =	sadd.s32 s3, s5;
	[dreg:$0x0] =	wrdreg $0x0  }
0x26: {  	s5 =	sshll.u32 s28, $0x1;
	[dreg:$0x2] =	wrdreg s3  }
0x27: {  	[dreg:$0x3] =	wrdreg s5  }
0x28: {  	[dreg:$0x4] =	wrdreg $0xC0  }
0x29: {  	_ =	task [dreg:s7], $0x5FFFF  }
0x2a: {  	[dreg:$0x1] =	wrdreg $0xFFFFFFFF  }
0x2b: {  	[dreg:$0x0] =	wrdreg $0x60  }
0x2c: {  	[dreg:$0x2] =	wrdreg s25  }
0x2d: {  	[dreg:$0x3] =	wrdreg s17  }
0x2e: {  	[dreg:$0x4] =	wrdreg $0x9  }
0x2f: {  	_ =	task.clear_ibuf [dreg:s7], $0x5FFFF;
	_ =	strace $0x90000049  }
0x30: {  	s29 =	simm.s32 $0x9;
	_ =	strace $0x8000004B  }
0x31: {  	_ =	swait.ge [sflag:s29], $0x1  }
0x32: {  	[sflag:s29] =	ssyncadd.s32 $0xFFFFFFFF  }
0x33: {  	_ =	strace $0x9000004B  }
0x34: {  	_ =	sfence  }
0x35: {  	s30 =	sld [smem:$0x0];
	_ =	sdelay $0x2  }
0x36: {  	s31 =	sshll.u32 s1, $0xD;
	s1 =	sshrl.u32 s1, $0x2  }
0x37: {  	s3 =	sand.u32 $0x4000, s31;
	s1 =	sadd.s32 s1, s30  }
0x38: {  	s0 =	sor.u32 s3, s0;
	s1 =	sshll.u32 s1, $0x11  }
0x39: {  	s0 =	sor.u32 s1, s0  }
0x3a: {  	s0 =	sadd.s32 $0x8F2B, s0  }
0x3b: {  	[sflag:s0] =	ssyncadd.remote.s32 $0x1  }
0x3c: {  	_ =	sfence.sel $0xFFFF  }
0x3d: {  	[dreg:$0x0] =	wrdreg $0xFFFFFFFF;
	(pc) =	sbr.abs _section_cstart, $3  }
0x3e: {  	[dreg:$0x1] =	wrdreg $0xFFFFFFFF  }
0x3f: {  	_ =	task.clear_ibuf [dreg:s7], $0x2FFFF;
	_ =	strace $0x9FFFFFFF  }
0x40: {  	(tm) =	ssettm $0x7FFFFFFF  }
0x41: {  	_ =	shalt  }
tec
execute0_lowered:
.L_overlay_start_1:
0x0: {  	(tag) =	ssettag $0x1  }
0x1: {  	s1 =	rddreg [dreg:$0x0]  }
0x2: {  	s2 =	rddreg [dreg:$0x1]  }
0x3: {  	s0 =	rddreg [dreg:$0x2]  }
0x4: {  	_ =	strace $0x8000004A;
	s4 =	srdreg.scid;
	s6 =	simm.s32 $0x2  }
0x5: {  	s12 =	simm.s32 $0x0;
	p0 =	por $0x0, $0x0;
	s13 =	simm.s32 $0x0  }
0x6: {  	s15 =	simm.s32 $0x0;
	s14 =	simm.s32 $0x0;
	s8 =	simm.s32 $0x0  }
.Ltmp0:
0x7: {  	s9 =	simm.s32 $0x0;
	s10 =	simm.s32 $0x0;
	(pc) =	sbr.rel .LBB1_1-.Ltmp0, $4  }
0x8: {  	s7 =	simm.s32 $0x0;
	s3 =	sadd.s32 $0x2A00, s1;
	s5 =	sshll.u32 s4, $0x4  }
0x9: {  	s1 =	stileid.u32;
	s4 =	simm.s32 $0x1;
	s5 =	sand.u32 $0x10, s5  }
0xa: {  	s22 =	simm.s32 $0x0;
	[sflag:s4] =	ssyncpa.u1 $0x0;
	s5 =	sor.u32 s1, s5  }
0xb: {  	[sflag:s6] =	ssyncpa.u1 $0x0;
	s6 =	simm.s32 $0x1000;
	s11 =	smov.u32 s5  }
.LBB1_7:
0xc: {  	s16 =	sadd.s32 $0x80, s8  }
0xd: {  	s12 =	sadd.s32 $0x40, s9;
	s17 =	smov.u32 s9;
	p2 =	sgt.s32 s16, $0x1FF  }
0xe: {  	s17 =	smov.u32 @p2 s12  }
0xf: {  	s18 =	smov.u32 s10;
	s12 =	sadd.s32 $0x2, s10;
	p3 =	sgt.s32 s17, $0x3F  }
0x10: {  	s18 =	smov.u32 @p3 s12  }
0x11: {  	s19 =	smov.u32 s11;
	s12 =	sadd.s32 $0x20, s11;
	p4 =	sgt.s32 s18, $0x7  }
0x12: {  	p1 =	slt.u32 s7, $0x2;
	s19 =	smov.u32 @p4 s12  }
0x13: {  	s7 =	sadd.s32 $0x1, s7;
	s16 =	simm.s32 @p2 $0x0;
	p2 =	sgt.s32 s19, $0x1F  }
0x14: {  	s20 =	simm.s32 @!p1 $0x2;
	s19 =	smov.u32 @p2 s5;
	p2 =	sne.s32 s7, $0x12  }
.Ltmp1:
0x15: {  	s13 =	smov.u32 s9;
	_ =	swait.ge @!p1 [sflag:s20], $0x4000;
	(pc) =	sbr.rel @!p2 .LBB1_8-.Ltmp1, $4  }
0x16: {  	s15 =	smov.u32 s10;
	s14 =	smov.u32 s11;
	[sflag:s20] =	ssyncset.done @!p1 $0x0  }
0x17: {  	p0 =	por !p0, !p0;
	s17 =	simm.s32 @p3 $0x0;
	[sflag:s20] =	ssyncadd.s32 @!p1 $0xFFFFC000  }
0x18: {  	s9 =	smov.u32 s17;
	s18 =	simm.s32 @p4 $0x0;
	s12 =	smov.u32 s8  }
0x19: {  	s8 =	smov.u32 s16;
	s10 =	smov.u32 s18;
	s11 =	smov.u32 s19  }
.LBB1_1:
0x1a: {  	p1 =	sgt.u32 s7, $0xF  }
0x1b: {  	s16 =	sxor.u32 @!p1 $0xFFFFFFFF, s7;
	s17 =	sand.u32 @!p1 $0x78, s8;
	s18 =	sshll.u32 @!p1 s9, $0x9  }
0x1c: {  	s19 =	sshll.u32 @!p1 s8, $0x3;
	s20 =	sshll.u32 @!p1 s9, $0x7;
	s16 =	sshll.u32 @!p1 s16, $0xE  }
0x1d: {  	s18 =	sand.u32 @!p1 $0x7000, s18;
	s19 =	sand.u32 @!p1 $0x7C00, s19;
	s16 =	sand.u32 @!p1 $0x4000, s16  }
0x1e: {  	s18 =	sadd.s32 @!p1 s18, s19;
	s19 =	sand.u32 @!p1 $0x200, s20;
	s20 =	sand.u32 @!p1 $0x180, s20  }
0x1f: {  	s18 =	sor.u32 @!p1 s19, s18;
	s17 =	sor.u32 @!p1 s17, s20;
	s19 =	sshll.u32 @!p1 s11, $0xF  }
0x20: {  	s20 =	sshll.u32 @!p1 s10, $0xC;
	s18 =	sshrl.u32 @!p1 s18, $0x3;
	s19 =	sadd.s32 @!p1 s3, s19  }
0x21: {  	s17 =	sshrl.u32 @!p1 s17, $0x3;
	s19 =	sadd.s32 @!p1 s20, s19;
	s20 =	sand.u32 @!p1 $0x7, s8  }
0x22: {  	s18 =	sand.u32 @!p1 $0xFC0, s18;
	s17 =	sadd.s32 @!p1 s17, s19;
	s19 =	sshll.u32 @!p1 s20, $0x12  }
0x23: {  	s17 =	sadd.s32 @!p1 s18, s17;
	s18 =	sor.u32 @!p1 $0x400, s19;
	s19 =	simm.s32 @!p1 $0x1000  }
0x24: {  	[tilespmem:s16], [sflag:$0x1] =	stream.strided.gather @!p1 [hbm4b:s17+s18], $0x4000, s19, s18, $0x38;
	[tilespmem:$0x10000] =	vst v63  }
0x25: {  	p1 =	seq.s32 s7, $0x0  }
0x26: {  	p2 =	seq.s32 @!p1 s7, $0x11  }
0x27: {  	p1 =	por p1, p2  }
.Ltmp2:
0x28: {  	_ = 	snop;
	(pc) =	sbr.rel @p1 .LBB1_7-.Ltmp2, $1  }
0x29: {  	_ =	sdelay $0x3  }
0x2a: {  	s16 =	simm.s32 $0x1;
	_ =	swait.ge [sflag:s4], $0x4000  }
0x2b: {  	s17 =	sshll.u32 s7, $0xE;
	s19 =	simm.s32 $0x0;
	s16 =	simm.s32 @!p0 $0x0  }
0x2c: {  	p2 =	por $0x1, $0x1;
	[sflag:s4] =	ssyncset.done $0x0;
	s16 =	sshll.u32 s16, $0x10  }
0x2d: {  	s17 =	sand.u32 $0x4000, s17;
	[sflag:s4] =	ssyncadd.s32 $0xFFFFC000;
	s18 =	sshrl.u32 s16, $0x2  }
0x2e: {  	s16 =	sor.u32 $0x8000, s17;
	s17 =	sadd.s32 $0x8040, s18;
	s18 =	sadd.s32 $0x40, s18  }
.LBB1_3:
0x2f: {  	s20 =	sshll.u32 s19, $0xD  }
0x30: {  	s20 =	sand.u32 $0x3FFFE000, s20  }
0x31: {  	s20 =	sadd.s32 s20, s18  }
0x32: {  	v0 =	vmov s20;
	_ =	sdelay $0x4  }
0x33: {  	v6 =	vld.idx.msk [tilespmem:v0+s22+$0x30 ss:$0x1], $0xffff  }
0x34: {  	v7 =	vld.idx.msk [tilespmem:v0+s22+$0xFFFFFFC0 ss:$0x1], $0xffff  }
0x35: {  	v1 =	vld.idx.msk [tilespmem:v0+s22+$0xFFFFFFD0 ss:$0x1], $0xffff  }
0x36: {  	s31 =	sshll.u32 s19, $0x7;
	v2 =	vld.idx.msk [tilespmem:v0+s22+$0xFFFFFFE0 ss:$0x1], $0xffff  }
0x37: {  	s19 =	sand.u32 $0x3FFFFF80, s31;
	v3 =	vld.idx.msk [tilespmem:v0+s22+$0xFFFFFFF0 ss:$0x1], $0xffff  }
0x38: {  	s19 =	sadd.s32 s19, s17;
	v4 =	vld.idx.msk [tilespmem:v0+s22+$0x0 ss:$0x1], $0xffff  }
0x39: {  	v5 =	vld.idx.msk [tilespmem:v0+s22+$0x10 ss:$0x1], $0xffff;
	[tilespmem:s19+$0x30] =	vst v6  }
0x3a: {  	p1 =	por p2, p2;
	s21 =	simm.s32 $0x400;
	s20 =	simm.s32 $0x80;
	[tilespmem:s19+$0xFFFFFFC0] =	vst v7;
	v6 =	vld.idx.msk [tilespmem:v0+s22+$0x20 ss:$0x1], $0xffff  }
.LBB1_4:
0x3b: {  	p2 =	sne.s32 s21, $0x7E00;
	v7 =	vld.idx.msk [tilespmem:v0+s20+$0x30 ss:$0x1], $0xffff;
	[tilespmem:s19+$0xFFFFFFD0] =	vst v1  }
0x3c: {  	v8 =	vld.idx.msk [tilespmem:v0+s20+$0xFFFFFFC0 ss:$0x1], $0xffff;
	[tilespmem:s19+$0xFFFFFFE0] =	vst v2  }
0x3d: {  	v1 =	vld.idx.msk [tilespmem:v0+s20+$0xFFFFFFD0 ss:$0x1], $0xffff;
	[tilespmem:s19+$0xFFFFFFF0] =	vst v3  }
.Ltmp3:
0x3e: {  	v2 =	vld.idx.msk [tilespmem:v0+s20+$0xFFFFFFE0 ss:$0x1], $0xffff;
	[tilespmem:s19+$0x0] =	vst v4;
	(pc) =	sbr.rel @p2 .LBB1_4-.Ltmp3, $4  }
0x3f: {  	v3 =	vld.idx.msk [tilespmem:v0+s20+$0xFFFFFFF0 ss:$0x1], $0xffff;
	[tilespmem:s19+$0x10] =	vst v5  }
0x40: {  	v4 =	vld.idx.msk [tilespmem:v0+s20+$0x0 ss:$0x1], $0xffff;
	[tilespmem:s19+$0x20] =	vst v6;
	s19 =	sadd.s32 $0x100, s19  }
0x41: {  	v5 =	vld.idx.msk [tilespmem:v0+s20+$0x10 ss:$0x1], $0xffff;
	[tilespmem:s19+$0x30] =	vst v7  }
0x42: {  	[tilespmem:s19+$0xFFFFFFC0] =	vst v8;
	v6 =	vld.idx.msk [tilespmem:v0+s20+$0x20 ss:$0x1], $0xffff;
	s20 =	sshra.s32 s21, $0x2;
	s21 =	sadd.s32 $0x200, s21  }
0x43: {  	_ =	sdelay $0x2  }
0x44: {  	[tilespmem:s19+$0xFFFFFFD0] =	vst v1  }
0x45: {  	v56 =	vld.idx.msk [tilespmem:v0+s20+$0x30 ss:$0x1], $0xffff;
	[tilespmem:s19+$0xFFFFFFE0] =	vst v2  }
0x46: {  	v57 =	vld.idx.msk [tilespmem:v0+s20+$0xFFFFFFC0 ss:$0x1], $0xffff;
	[tilespmem:s19+$0xFFFFFFF0] =	vst v3  }
0x47: {  	v58 =	vld.idx.msk [tilespmem:v0+s20+$0xFFFFFFD0 ss:$0x1], $0xffff;
	[tilespmem:s19+$0x0] =	vst v4  }
0x48: {  	v59 =	vld.idx.msk [tilespmem:v0+s20+$0xFFFFFFE0 ss:$0x1], $0xffff;
	[tilespmem:s19+$0x10] =	vst v5  }
0x49: {  	v60 =	vld.idx.msk [tilespmem:v0+s20+$0xFFFFFFF0 ss:$0x1], $0xffff;
	s31 =	sadd.s32 $0x100, s19;
	[tilespmem:s19+$0x20] =	vst v6  }
0x4a: {  	v61 =	vld.idx.msk [tilespmem:v0+s20+$0x0 ss:$0x1], $0xffff;
	[tilespmem:s31+$0x30] =	vst v56  }
0x4b: {  	v62 =	vld.idx.msk [tilespmem:v0+s20+$0x10 ss:$0x1], $0xffff;
	[tilespmem:s31+$0xFFFFFFC0] =	vst v57  }
0x4c: {  	v63 =	vld.idx.msk [tilespmem:v0+s20+$0x20 ss:$0x1], $0xffff;
	[tilespmem:s31+$0xFFFFFFD0] =	vst v58  }
.Ltmp4:
0x4d: {  	[tilespmem:s31+$0xFFFFFFE0] =	vst v59;
	(pc) =	sbr.rel @p1 .LBB1_3-.Ltmp4, $4  }
0x4e: {  	[tilespmem:s31+$0xFFFFFFF0] =	vst v60  }
0x4f: {  	[tilespmem:s31+$0x0] =	vst v61  }
0x50: {  	[tilespmem:s31+$0x10] =	vst v62  }
0x51: {  	p2 =	por $0x0, $0x0;
	s19 =	simm.s32 $0x1;
	[tilespmem:s31+$0x20] =	vst v63  }
0x52: {  	s17 =	sshll.u32 s12, $0x3;
	s15 =	sshll.u32 s15, $0x7;
	s18 =	sand.u32 $0x78, s12  }
0x53: {  	s14 =	sshll.u32 s14, $0xF;
	s13 =	sshll.u32 s13, $0x9;
	s15 =	sand.u32 $0x380, s15  }
.Ltmp5:
0x54: {  	s17 =	sand.u32 $0xC00, s17;
	s15 =	sor.u32 s18, s15;
	(pc) =	sbr.rel .LBB1_7-.Ltmp5, $4  }
0x55: {  	s31 =	sand.u32 $0x7, s12;
	s14 =	sadd.s32 s2, s14;
	s15 =	sor.u32 s17, s15  }
0x56: {  	s12 =	sshll.u32 s31, $0x12;
	s13 =	sadd.s32 s13, s14;
	s15 =	sshrl.u32 s15, $0x3  }
0x57: {  	s12 =	sor.u32 $0x100, s12;
	s13 =	sadd.s32 s15, s13  }
0x58: {  	[hbm4b:s13+s12] =	stream.strided.scatter [tilespmem:s16], [sflag:$0x2], $0x4000, s6, s12, $0x38;
	[tilespmem:$0x10000] =	vst v63  }
.LBB1_8:
0x59: {  	_ =	sfence.sel $0x180000  }
0x5a: {  	s2 =	simm.s32 $0x1;
	[bflag:$0x0] =	sbarrier.arrive $0xFFFF  }
0x5b: {  	s31 =	simm.s32 $0x2;
	[sflag:s2] =	ssyncpa.u1 $0x1  }
0x5c: {  	[sflag:s31] =	ssyncpa.u1 $0x1  }
0x5d: {  	p0 =	sne.s32 s1, $0x0;
	_ =	strace $0x9000004A  }
0x5e: {  	s0 =	sadd.s32 @!p0 $0x100000, s0;
	[bflag:$0x2] =	sbarrier.arrive $0xFFFF  }
0x5f: {  	[sflag:s0] =	ssyncadd.tile.s32 @!p0 $0x1;
	_ =	shalt  }
.Lfunc_end1:
_tile_overlayer_lowered:
.L_overlay_start_2:
0x60: {  	(tag) =	ssettag $0x2  }
0x61: {  	s0 =	rddreg [dreg:$0x0];
	s2 =	stileid.u32  }
0x62: {  	s1 =	rddreg [dreg:$0x1];
	p0 =	sne.s32 s2, $0x0  }
0x63: {  	s3 =	rddreg [dreg:$0x2];
	[bflag:$0x3] =	sbarrier.arrive $0xFFFF;
	s2 =	simm.s32 @!p0 $0x1C01  }
0x64: {  	[timem:s3], [sflag:s2] =	dma.local @!p0 [hbm:s0], s1  }
0x65: {  	s0 =	simm.s32 @!p0 $0x1  }
0x66: {  	_ =	swait.ge @!p0 [sflag:s0], s1  }
0x67: {  	s1 =	ssub.s32 @!p0 $0x0, s1;
	[sflag:s0] =	ssyncset.done @!p0 $0x0  }
0x68: {  	[sflag:s0] =	ssyncadd.s32 @!p0 s1  }
0x69: {  	[bflag:$0x3] =	sbarrier.arrive $0xFFFF  }
0x6a: {  	_ =	shalt  }

</sc_bundles>
